<compile_context>
chip_gen: v7x
topology: tpu7x:2x2x1
jax: 0.10.2.dev20260603
libtpu: 0.0.44.dev20260713+nightly
codegen_flags: <defaults>
</compile_context>

<pallas_src>
import jax
import jax.numpy as jnp
from jax import lax
from jax.experimental import pallas as pl
from jax.experimental.pallas import tpu as pltpu
from jax.experimental.pallas import tpu_sc as plsc

EMBED_DIM = 64
IN_DIM = 192
HIDDEN = 128
L = 16
SLAB = 128
NT = 12
B1_ROW = 192
W2_ROW = 193
B2_ROW = 194
WPAD = 200


_BCAST_DNUMS = lax.GatherDimensionNumbers(
    offset_dims=(), collapsed_slice_dims=(0,), start_index_map=(0,))


def _bcast_lane(ev, l):
    idx = jnp.full((L, 1), l, dtype=jnp.int32)
    return lax.gather(ev, idx, _BCAST_DNUMS, (1,),
                      mode=lax.GatherScatterMode.PROMISE_IN_BOUNDS)


def _xlane_sum(s):
    lane = lax.iota(jnp.int32, L)
    for sh in (8, 4, 2, 1):
        idx = ((lane + sh) & (L - 1)).reshape(L, 1)
        s = s + lax.gather(s, idx, _BCAST_DNUMS, (1,),
                           mode=lax.GatherScatterMode.PROMISE_IN_BOUNDS)
    return s


def _gather16(ref, rows, cols):
    return plsc.load_gather(ref, [rows, cols])


def _sc_body(idx_h, t0T_h, t1T_h, stT_h, w_h, out_h,
             idx_v, slab_v, w16_v, wt_v, part_v, acc_v, out_v, shared_v,
             sem_idx, sem_g, sem_w):
    wid = lax.axis_index("s")

    @pl.when(wid < NT)
    def _():
        idx_cp = pltpu.make_async_copy(idx_h, idx_v.at[pl.ds(0, 8)], sem_idx)
        idx_cp.start()
        woff = pl.multiple_of(wid * L, L)
        w_cp = pltpu.make_async_copy(w_h.at[pl.ds(woff, L)], w16_v, sem_w)
        w_cp.start()
        idx_cp.wait()

        iv = idx_v[...]
        r = wid >> 2
        roff = pl.multiple_of((wid & 3) * L, L)
        bases = [pl.multiple_of((iv[t] >> 7) << 7, SLAB) for t in range(3)]
        tabs = (stT_h, t0T_h, t1T_h)
        for rr in range(3):
            @pl.when(r == rr)
            def _():
                pltpu.make_async_copy(
                    tabs[rr].at[pl.ds(roff, L), pl.ds(bases[rr], SLAB)],
                    slab_v, sem_g).start()
        col = _bcast_lane(iv & (SLAB - 1), r)
        lane = lax.iota(jnp.int32, L)
        pltpu.make_async_copy(
            tabs[0].at[pl.ds(roff, L), pl.ds(bases[0], SLAB)],
            slab_v, sem_g).wait()
        w_cp.wait()

        ev = _gather16(slab_v, lane, col)
        acc = [jnp.zeros((L,), jnp.float32) for _ in range(HIDDEN // L)]
        for l in range(L):
            eb = _bcast_lane(ev, l)
            for j in range(HIDDEN // L):
                acc[j] = acc[j] + eb * w16_v[l, pl.ds(16 * j, L)]
        for j in range(HIDDEN // L):
            part_v[pl.ds(16 * j, L)] = acc[j]
        pltpu.sync_copy(part_v, shared_v.at[pl.ds(
            pl.multiple_of(HIDDEN * wid, HIDDEN), HIDDEN)])

    @pl.when(wid == 0)
    def _():
        pltpu.make_async_copy(
            w_h.at[pl.ds(B1_ROW, 8)], wt_v, sem_w).start()

    plsc.subcore_barrier()

    @pl.when(wid == 0)
    def _():
        all_cp = pltpu.make_async_copy(shared_v, acc_v, sem_g)
        all_cp.start()
        pltpu.make_async_copy(
            w_h.at[pl.ds(B1_ROW, 8)], wt_v, sem_w).wait()
        all_cp.wait()
        s = jnp.zeros((L,), jnp.float32)
        for j in range(HIDDEN // L):
            h = wt_v[0, pl.ds(16 * j, L)]
            for t in range(NT):
                h = h + acc_v[pl.ds(HIDDEN * t + 16 * j, L)]
            h = jnp.maximum(h, 0.0)
            s = s + h * wt_v[1, pl.ds(16 * j, L)]
        logit = _xlane_sum(s) + wt_v[2, pl.ds(0, L)]
        out_v[...] = 1.0 / (1.0 + jnp.exp(-logit))
        pltpu.sync_copy(out_v, out_h)


@jax.jit
def _run(idx_all, t0T, t1T, stT, wpack):
    mesh = plsc.VectorSubcoreMesh(core_axis_name="c", subcore_axis_name="s",
                                  num_cores=1, num_subcores=16)
    f = pl.kernel(
        _sc_body,
        out_type=jax.ShapeDtypeStruct((L,), jnp.float32),
        mesh=mesh,
        scratch_types=[
            pltpu.VMEM((L,), jnp.int32),
            pltpu.VMEM((L, SLAB), jnp.float32),
            pltpu.VMEM((L, HIDDEN), jnp.float32),
            pltpu.VMEM((8, HIDDEN), jnp.float32),
            pltpu.VMEM((HIDDEN,), jnp.float32),
            pltpu.VMEM((NT * HIDDEN,), jnp.float32),
            pltpu.VMEM((L,), jnp.float32),
            pltpu.VMEM_SHARED((NT * HIDDEN,), jnp.float32),
            pltpu.SemaphoreType.DMA,
            pltpu.SemaphoreType.DMA,
            pltpu.SemaphoreType.DMA,
        ],
        compiler_params=pltpu.CompilerParams(needs_layout_passes=False,
                                             skip_device_barrier=True,
                                             disable_semaphore_checks=True),
    )
    return f(idx_all, t0T, t1T, stT, wpack)


def kernel(speaker, word0, word1, table0, table1, speaker_table, W1, b1, W2, b2):
    idx_all = jnp.concatenate([
        speaker.astype(jnp.int32), word0.astype(jnp.int32),
        word1.astype(jnp.int32), jnp.zeros((5,), jnp.int32)])
    wpack = jnp.concatenate([
        W1, b1[None, :], W2.reshape(1, HIDDEN),
        jnp.pad(b2, (0, HIDDEN - 1))[None, :],
        jnp.zeros((WPAD - B2_ROW - 1, HIDDEN), jnp.float32)], axis=0)
    res = _run(idx_all, table0.T, table1.T, speaker_table.T, wpack)
    return res[0:1].reshape(1, 1)

# --- scband reference (transcript-rebuilt; emitter-appended) ---
"""Pipeline reference for scband-ngram-language-modeler-18021682774721 (READ-ONLY COPY).

The authoritative reference and input builder live on the scoring server;
editing this copy changes nothing except your own understanding.
"""

import jax, jax.numpy as jnp
import numpy as np

VOCAB = 1000000
SPEAKER_SIZE = 100000
EMBED_DIM = 64
CONTEXT_SIZE = 2
HIDDEN = 128

def setup_inputs(seed: int = 0) -> dict:
    key = jax.random.key(seed)
    ks = jax.random.split(key, 10)
    speaker = jax.random.randint(ks[0], (1,), 0, SPEAKER_SIZE, dtype=jnp.int64 if jax.config.jax_enable_x64 else jnp.int32).astype(jnp.int32)
    word0 = jax.random.randint(ks[1], (1,), 0, VOCAB).astype(jnp.int32)
    word1 = jax.random.randint(ks[2], (1,), 0, VOCAB).astype(jnp.int32)
    table0 = jax.random.normal(ks[3], (VOCAB, EMBED_DIM), dtype=jnp.float32) * 0.02
    table1 = jax.random.normal(ks[4], (VOCAB, EMBED_DIM), dtype=jnp.float32) * 0.02
    speaker_table = jax.random.normal(ks[5], (SPEAKER_SIZE, EMBED_DIM), dtype=jnp.float32) * 0.02
    in_dim = EMBED_DIM + CONTEXT_SIZE * EMBED_DIM
    W1 = jax.random.normal(ks[6], (in_dim, HIDDEN), dtype=jnp.float32) * (1.0 / np.sqrt(in_dim))
    b1 = jnp.zeros((HIDDEN,), dtype=jnp.float32)
    W2 = jax.random.normal(ks[7], (HIDDEN, 1), dtype=jnp.float32) * (1.0 / np.sqrt(HIDDEN))
    b2 = jnp.zeros((1,), dtype=jnp.float32)
    return {"speaker": speaker, "word0": word0, "word1": word1,
            "table0": table0, "table1": table1, "speaker_table": speaker_table,
            "W1": W1, "b1": b1, "W2": W2, "b2": b2}

def reference(speaker, word0, word1, table0, table1, speaker_table, W1, b1, W2, b2):
    # sentence_embed = cat([emb_col(sentence[col]) for col in sentence], dim=1)
    e0 = jnp.take(table0, word0, axis=0)   # [1, D]
    e1 = jnp.take(table1, word1, axis=0)   # [1, D]
    sentence_embed = jnp.concatenate([e0, e1], axis=1)          # [1, CTX*D]
    # speaker_embed = embeddings2(speaker).view((1, -1))
    speaker_embed = jnp.take(speaker_table, speaker, axis=0).reshape(1, -1)  # [1, D]
    embeds_full = jnp.concatenate([speaker_embed, sentence_embed], axis=-1)  # [1, D+CTX*D]
    out = jax.nn.relu(embeds_full @ W1 + b1)
    out = out @ W2 + b2
    log_probs = jax.nn.sigmoid(out)
    return log_probs

if __name__ == "__main__":
    import jax
    _d = setup_inputs()
    print(jax.jit(kernel)(*tuple(_d.values())))

</pallas_src>

<mosaic_0001>
#map = affine_map<(d0, d1) -> (0)>
#map1 = affine_map<(d0, d1) -> (0, 0)>
module attributes {stable_mosaic.version = 14 : i64} {
  func.func @_sc_body(%arg0: i32, %arg1: i32, %arg2: memref<8xi32, #tpu.memory_space<hbm>>, %arg3: memref<64x1000000xf32, #tpu.memory_space<hbm>>, %arg4: memref<64x1000000xf32, #tpu.memory_space<hbm>>, %arg5: memref<64x100000xf32, #tpu.memory_space<hbm>>, %arg6: memref<200x128xf32, #tpu.memory_space<hbm>>, %arg7: memref<16xf32, #tpu.memory_space<hbm>>, %arg8: memref<16xi32, #tpu.memory_space<vmem>>, %arg9: memref<16x128xf32, #tpu.memory_space<vmem>>, %arg10: memref<16x128xf32, #tpu.memory_space<vmem>>, %arg11: memref<8x128xf32, #tpu.memory_space<vmem>>, %arg12: memref<128xf32, #tpu.memory_space<vmem>>, %arg13: memref<1536xf32, #tpu.memory_space<vmem>>, %arg14: memref<16xf32, #tpu.memory_space<vmem>>, %arg15: memref<1536xf32, #tpu.memory_space<vmem_shared>>, %arg16: memref<!tpu.dma_semaphore, #tpu.memory_space<semaphore_mem>>, %arg17: memref<!tpu.dma_semaphore, #tpu.memory_space<semaphore_mem>>, %arg18: memref<!tpu.dma_semaphore, #tpu.memory_space<semaphore_mem>>) attributes {dimension_semantics = [#tpu.dimension_semantics<core_parallel>, #tpu.dimension_semantics<subcore_parallel>], iteration_bounds = array<i64: 1, 16>, scalar_prefetch = 0 : i64, scratch_operands = 11 : i64, tpu.core_type = #tpu.core_type<sc_vector_subcore>, window_params = [{transform_indices = #map}, {transform_indices = #map1}, {transform_indices = #map1}, {transform_indices = #map1}, {transform_indices = #map1}, {transform_indices = #map}]} {
    %lt3A = arith.constant 12 : i32
    %lt3A_0 = arith.cmpi slt, %arg1, %lt3A : i32
    %convert_element_type3A = arith.extui %lt3A_0 : i1 to i32
    %cond3A = arith.constant 0 : i32
    %cond3A_1 = arith.cmpi ne, %convert_element_type3A, %cond3A : i32
    scf.if %cond3A_1 {
      %dma_start3A = arith.constant 0 : i32
      %dma_start3A_11 = tpu.memref_slice %arg8[%dma_start3A] : memref<16xi32, #tpu.memory_space<vmem>> -> memref<8xi32, #tpu.memory_space<vmem>>
      %dma_start3A_12 = arith.constant 0 : i32
      %dma_start3A_13 = tpu.memref_slice %arg8[%dma_start3A_12] : memref<16xi32, #tpu.memory_space<vmem>> -> memref<8xi32, #tpu.memory_space<vmem>>
      tpu.enqueue_dma source(%arg2 : memref<8xi32, #tpu.memory_space<hbm>>) target(%dma_start3A_13 : memref<8xi32, #tpu.memory_space<vmem>>) target_semaphore(%arg16 : memref<!tpu.dma_semaphore, #tpu.memory_space<semaphore_mem>>)
      %mul3A = arith.constant 16 : i32
      %mul3A_14 = arith.muli %arg1, %mul3A : i32
      %multiple_of3A = tpu.assume_multiple %mul3A_14, 16 : i32
      %dma_start3A_15 = arith.constant 0 : i32
      %dma_start3A_16 = tpu.memref_slice %arg6[%multiple_of3A, %dma_start3A_15] : memref<200x128xf32, #tpu.memory_space<hbm>> -> memref<16x128xf32, #tpu.memory_space<hbm>>
      %dma_start3A_17 = arith.constant 0 : i32
      %dma_start3A_18 = tpu.memref_slice %arg6[%multiple_of3A, %dma_start3A_17] : memref<200x128xf32, #tpu.memory_space<hbm>> -> memref<16x128xf32, #tpu.memory_space<hbm>>
      tpu.enqueue_dma source(%dma_start3A_18 : memref<16x128xf32, #tpu.memory_space<hbm>>) target(%arg10 : memref<16x128xf32, #tpu.memory_space<vmem>>) target_semaphore(%arg18 : memref<!tpu.dma_semaphore, #tpu.memory_space<semaphore_mem>>)
      %dma_wait3A = arith.constant 0 : i32
      %dma_wait3A_19 = tpu.memref_slice %arg8[%dma_wait3A] : memref<16xi32, #tpu.memory_space<vmem>> -> memref<8xi32, #tpu.memory_space<vmem>>
      %dma_wait3A_20 = arith.constant 0 : i32
      %dma_wait3A_21 = tpu.memref_slice %arg8[%dma_wait3A_20] : memref<16xi32, #tpu.memory_space<vmem>> -> memref<8xi32, #tpu.memory_space<vmem>>
      tpu.wait_dma2 semaphore(%arg16 : memref<!tpu.dma_semaphore, #tpu.memory_space<semaphore_mem>>) src(%arg2 : memref<8xi32, #tpu.memory_space<hbm>>) dst(%dma_wait3A_21 : memref<8xi32, #tpu.memory_space<vmem>>)
      %get3A = arith.constant 0 : index
      %get3A_22 = tpu.vector_load %arg8[%get3A] {strides = array<i32>} : memref<16xi32, #tpu.memory_space<vmem>>, vector<16xi32>,
      %shift_right_arithmetic3A = arith.constant 2 : i32
      %shift_right_arithmetic3A_23 = arith.shrsi %arg1, %shift_right_arithmetic3A : i32
      %and3A = arith.constant 3 : i32
      %and3A_24 = arith.andi %arg1, %and3A : i32
      %mul3A_25 = arith.constant 16 : i32
      %mul3A_26 = arith.muli %and3A_24, %mul3A_25 : i32
      %multiple_of3A_27 = tpu.assume_multiple %mul3A_26, 16 : i32
      %slice3A = vector.extract_strided_slice %get3A_22 {offsets = [0], sizes = [1], strides = [1]} : vector<16xi32> to vector<1xi32>
      %squeeze3A = vector.extract %slice3A[0] : i32 from vector<1xi32>
      %shift_right_arithmetic3A_28 = arith.constant 7 : i32
      %shift_right_arithmetic3A_29 = arith.shrsi %squeeze3A, %shift_right_arithmetic3A_28 : i32
      %shift_left3A = arith.constant 7 : i32
      %shift_left3A_30 = arith.shli %shift_right_arithmetic3A_29, %shift_left3A : i32
      %multiple_of3A_31 = tpu.assume_multiple %shift_left3A_30, 128 : i32
      %slice3A_32 = vector.extract_strided_slice %get3A_22 {offsets = [1], sizes = [1], strides = [1]} : vector<16xi32> to vector<1xi32>
      %squeeze3A_33 = vector.extract %slice3A_32[0] : i32 from vector<1xi32>
      %shift_right_arithmetic3A_34 = arith.constant 7 : i32
      %shift_right_arithmetic3A_35 = arith.shrsi %squeeze3A_33, %shift_right_arithmetic3A_34 : i32
      %shift_left3A_36 = arith.constant 7 : i32
      %shift_left3A_37 = arith.shli %shift_right_arithmetic3A_35, %shift_left3A_36 : i32
      %multiple_of3A_38 = tpu.assume_multiple %shift_left3A_37, 128 : i32
      %slice3A_39 = vector.extract_strided_slice %get3A_22 {offsets = [2], sizes = [1], strides = [1]} : vector<16xi32> to vector<1xi32>
      %squeeze3A_40 = vector.extract %slice3A_39[0] : i32 from vector<1xi32>
      %shift_right_arithmetic3A_41 = arith.constant 7 : i32
      %shift_right_arithmetic3A_42 = arith.shrsi %squeeze3A_40, %shift_right_arithmetic3A_41 : i32
      %shift_left3A_43 = arith.constant 7 : i32
      %shift_left3A_44 = arith.shli %shift_right_arithmetic3A_42, %shift_left3A_43 : i32
      %multiple_of3A_45 = tpu.assume_multiple %shift_left3A_44, 128 : i32
      %eq3A_46 = arith.constant 0 : i32
      %eq3A_47 = arith.cmpi eq, %shift_right_arithmetic3A_23, %eq3A_46 : i32
      %convert_element_type3A_48 = arith.extui %eq3A_47 : i1 to i32
      %cond3A_49 = arith.constant 0 : i32
      %cond3A_50 = arith.cmpi ne, %convert_element_type3A_48, %cond3A_49 : i32
      scf.if %cond3A_50 {
        %dma_start3A_937 = tpu.memref_slice %arg5[%multiple_of3A_27, %multiple_of3A_31] : memref<64x100000xf32, #tpu.memory_space<hbm>> -> memref<16x128xf32, #tpu.memory_space<hbm>>
        %dma_start3A_938 = tpu.memref_slice %arg5[%multiple_of3A_27, %multiple_of3A_31] : memref<64x100000xf32, #tpu.memory_space<hbm>> -> memref<16x128xf32, #tpu.memory_space<hbm>>
        tpu.enqueue_dma source(%dma_start3A_938 : memref<16x128xf32, #tpu.memory_space<hbm>>) target(%arg9 : memref<16x128xf32, #tpu.memory_space<vmem>>) target_semaphore(%arg17 : memref<!tpu.dma_semaphore, #tpu.memory_space<semaphore_mem>>)
      } else {
      }
      %eq3A_51 = arith.constant 1 : i32
      %eq3A_52 = arith.cmpi eq, %shift_right_arithmetic3A_23, %eq3A_51 : i32
      %convert_element_type3A_53 = arith.extui %eq3A_52 : i1 to i32
      %cond3A_54 = arith.constant 0 : i32
      %cond3A_55 = arith.cmpi ne, %convert_element_type3A_53, %cond3A_54 : i32
      scf.if %cond3A_55 {
        %dma_start3A_937 = tpu.memref_slice %arg3[%multiple_of3A_27, %multiple_of3A_38] : memref<64x1000000xf32, #tpu.memory_space<hbm>> -> memref<16x128xf32, #tpu.memory_space<hbm>>
        %dma_start3A_938 = tpu.memref_slice %arg3[%multiple_of3A_27, %multiple_of3A_38] : memref<64x1000000xf32, #tpu.memory_space<hbm>> -> memref<16x128xf32, #tpu.memory_space<hbm>>
        tpu.enqueue_dma source(%dma_start3A_938 : memref<16x128xf32, #tpu.memory_space<hbm>>) target(%arg9 : memref<16x128xf32, #tpu.memory_space<vmem>>) target_semaphore(%arg17 : memref<!tpu.dma_semaphore, #tpu.memory_space<semaphore_mem>>)
      } else {
      }
      %eq3A_56 = arith.constant 2 : i32
      %eq3A_57 = arith.cmpi eq, %shift_right_arithmetic3A_23, %eq3A_56 : i32
      %convert_element_type3A_58 = arith.extui %eq3A_57 : i1 to i32
      %cond3A_59 = arith.constant 0 : i32
      %cond3A_60 = arith.cmpi ne, %convert_element_type3A_58, %cond3A_59 : i32
      scf.if %cond3A_60 {
        %dma_start3A_937 = tpu.memref_slice %arg4[%multiple_of3A_27, %multiple_of3A_45] : memref<64x1000000xf32, #tpu.memory_space<hbm>> -> memref<16x128xf32, #tpu.memory_space<hbm>>
        %dma_start3A_938 = tpu.memref_slice %arg4[%multiple_of3A_27, %multiple_of3A_45] : memref<64x1000000xf32, #tpu.memory_space<hbm>> -> memref<16x128xf32, #tpu.memory_space<hbm>>
        tpu.enqueue_dma source(%dma_start3A_938 : memref<16x128xf32, #tpu.memory_space<hbm>>) target(%arg9 : memref<16x128xf32, #tpu.memory_space<vmem>>) target_semaphore(%arg17 : memref<!tpu.dma_semaphore, #tpu.memory_space<semaphore_mem>>)
      } else {
      }
      %and3A_61 = arith.constant 127 : i32
      %and3A_62 = vector.broadcast %and3A_61 : i32 to vector<16xi32>
      %and3A_63 = arith.andi %get3A_22, %and3A_62 : vector<16xi32>
      %broadcast_in_dim3A = vector.broadcast %shift_right_arithmetic3A_23 : i32 to vector<16x1xi32>
      %gather3A = vector.shape_cast %broadcast_in_dim3A : vector<16x1xi32> to vector<16xi32>
      %gather3A_64 = tpu.dynamic_gather %and3A_63[%gather3A] in [0] : vector<16xi32>, vector<16xi32> -> vector<16xi32>
      %iota3A = tpu.iota {dimensions = array<i32: 0>} : vector<16xi32>
      %dma_wait3A_65 = tpu.memref_slice %arg5[%multiple_of3A_27, %multiple_of3A_31] : memref<64x100000xf32, #tpu.memory_space<hbm>> -> memref<16x128xf32, #tpu.memory_space<hbm>>
      %dma_wait3A_66 = tpu.memref_slice %arg5[%multiple_of3A_27, %multiple_of3A_31] : memref<64x100000xf32, #tpu.memory_space<hbm>> -> memref<16x128xf32, #tpu.memory_space<hbm>>
      tpu.wait_dma2 semaphore(%arg17 : memref<!tpu.dma_semaphore, #tpu.memory_space<semaphore_mem>>) src(%dma_wait3A_66 : memref<16x128xf32, #tpu.memory_space<hbm>>) dst(%arg9 : memref<16x128xf32, #tpu.memory_space<vmem>>)
      %dma_wait3A_67 = arith.constant 0 : i32
      %dma_wait3A_68 = tpu.memref_slice %arg6[%multiple_of3A, %dma_wait3A_67] : memref<200x128xf32, #tpu.memory_space<hbm>> -> memref<16x128xf32, #tpu.memory_space<hbm>>
      %dma_wait3A_69 = arith.constant 0 : i32
      %dma_wait3A_70 = tpu.memref_slice %arg6[%multiple_of3A, %dma_wait3A_69] : memref<200x128xf32, #tpu.memory_space<hbm>> -> memref<16x128xf32, #tpu.memory_space<hbm>>
      tpu.wait_dma2 semaphore(%arg18 : memref<!tpu.dma_semaphore, #tpu.memory_space<semaphore_mem>>) src(%dma_wait3A_70 : memref<16x128xf32, #tpu.memory_space<hbm>>) dst(%arg10 : memref<16x128xf32, #tpu.memory_space<vmem>>)
      %gather3A_71 = tpu.vector_load_idx %arg9[%iota3A, %gather3A_64] : memref<16x128xf32, #tpu.memory_space<vmem>>[vector<16xi32>, vector<16xi32>], vector<16xf32>,
      %broadcast_in_dim3A_72 = arith.constant 0.000000e+00 : f32
      %broadcast_in_dim3A_73 = vector.broadcast %broadcast_in_dim3A_72 : f32 to vector<16xf32>
      %broadcast_in_dim3A_74 = arith.constant 0.000000e+00 : f32
      %broadcast_in_dim3A_75 = vector.broadcast %broadcast_in_dim3A_74 : f32 to vector<16xf32>
      %broadcast_in_dim3A_76 = arith.constant 0.000000e+00 : f32
      %broadcast_in_dim3A_77 = vector.broadcast %broadcast_in_dim3A_76 : f32 to vector<16xf32>
      %broadcast_in_dim3A_78 = arith.constant 0.000000e+00 : f32
      %broadcast_in_dim3A_79 = vector.broadcast %broadcast_in_dim3A_78 : f32 to vector<16xf32>
      %broadcast_in_dim3A_80 = arith.constant 0.000000e+00 : f32
      %broadcast_in_dim3A_81 = vector.broadcast %broadcast_in_dim3A_80 : f32 to vector<16xf32>
      %broadcast_in_dim3A_82 = arith.constant 0.000000e+00 : f32
      %broadcast_in_dim3A_83 = vector.broadcast %broadcast_in_dim3A_82 : f32 to vector<16xf32>
      %broadcast_in_dim3A_84 = arith.constant 0.000000e+00 : f32
      %broadcast_in_dim3A_85 = vector.broadcast %broadcast_in_dim3A_84 : f32 to vector<16xf32>
      %broadcast_in_dim3A_86 = arith.constant 0.000000e+00 : f32
      %broadcast_in_dim3A_87 = vector.broadcast %broadcast_in_dim3A_86 : f32 to vector<16xf32>
      %broadcast_in_dim3A_88 = arith.constant 0 : i32
      %broadcast_in_dim3A_89 = vector.broadcast %broadcast_in_dim3A_88 : i32 to vector<16x1xi32>
      %gather3A_90 = vector.shape_cast %broadcast_in_dim3A_89 : vector<16x1xi32> to vector<16xi32>
      %gather3A_91 = tpu.dynamic_gather %gather3A_71[%gather3A_90] in [0] : vector<16xf32>, vector<16xi32> -> vector<16xf32>
      %get3A_92 = arith.constant 0 : i32
      %get3A_93 = arith.index_cast %get3A_92 : i32 to index
      %get3A_94 = arith.constant 0 : index
      %get3A_95 = tpu.vector_load %arg10[%get3A_93, %get3A_94] {strides = array<i32>} : memref<16x128xf32, #tpu.memory_space<vmem>>, vector<16xf32>,
      %mul3A_96 = arith.mulf %gather3A_91, %get3A_95 : vector<16xf32>
      %add3A = arith.addf %broadcast_in_dim3A_73, %mul3A_96 : vector<16xf32>
      %get3A_97 = arith.constant 0 : i32
      %get3A_98 = arith.index_cast %get3A_97 : i32 to index
      %get3A_99 = arith.constant 16 : index
      %get3A_100 = tpu.vector_load %arg10[%get3A_98, %get3A_99] {strides = array<i32>} : memref<16x128xf32, #tpu.memory_space<vmem>>, vector<16xf32>,
      %mul3A_101 = arith.mulf %gather3A_91, %get3A_100 : vector<16xf32>
      %add3A_102 = arith.addf %broadcast_in_dim3A_75, %mul3A_101 : vector<16xf32>
      %get3A_103 = arith.constant 0 : i32
      %get3A_104 = arith.index_cast %get3A_103 : i32 to index
      %get3A_105 = arith.constant 32 : index
      %get3A_106 = tpu.vector_load %arg10[%get3A_104, %get3A_105] {strides = array<i32>} : memref<16x128xf32, #tpu.memory_space<vmem>>, vector<16xf32>,
      %mul3A_107 = arith.mulf %gather3A_91, %get3A_106 : vector<16xf32>
      %add3A_108 = arith.addf %broadcast_in_dim3A_77, %mul3A_107 : vector<16xf32>
      %get3A_109 = arith.constant 0 : i32
      %get3A_110 = arith.index_cast %get3A_109 : i32 to index
      %get3A_111 = arith.constant 48 : index
      %get3A_112 = tpu.vector_load %arg10[%get3A_110, %get3A_111] {strides = array<i32>} : memref<16x128xf32, #tpu.memory_space<vmem>>, vector<16xf32>,
      %mul3A_113 = arith.mulf %gather3A_91, %get3A_112 : vector<16xf32>
      %add3A_114 = arith.addf %broadcast_in_dim3A_79, %mul3A_113 : vector<16xf32>
      %get3A_115 = arith.constant 0 : i32
      %get3A_116 = arith.index_cast %get3A_115 : i32 to index
      %get3A_117 = arith.constant 64 : index
      %get3A_118 = tpu.vector_load %arg10[%get3A_116, %get3A_117] {strides = array<i32>} : memref<16x128xf32, #tpu.memory_space<vmem>>, vector<16xf32>,
      %mul3A_119 = arith.mulf %gather3A_91, %get3A_118 : vector<16xf32>
      %add3A_120 = arith.addf %broadcast_in_dim3A_81, %mul3A_119 : vector<16xf32>
      %get3A_121 = arith.constant 0 : i32
      %get3A_122 = arith.index_cast %get3A_121 : i32 to index
      %get3A_123 = arith.constant 80 : index
      %get3A_124 = tpu.vector_load %arg10[%get3A_122, %get3A_123] {strides = array<i32>} : memref<16x128xf32, #tpu.memory_space<vmem>>, vector<16xf32>,
      %mul3A_125 = arith.mulf %gather3A_91, %get3A_124 : vector<16xf32>
      %add3A_126 = arith.addf %broadcast_in_dim3A_83, %mul3A_125 : vector<16xf32>
      %get3A_127 = arith.constant 0 : i32
      %get3A_128 = arith.index_cast %get3A_127 : i32 to index
      %get3A_129 = arith.constant 96 : index
      %get3A_130 = tpu.vector_load %arg10[%get3A_128, %get3A_129] {strides = array<i32>} : memref<16x128xf32, #tpu.memory_space<vmem>>, vector<16xf32>,
      %mul3A_131 = arith.mulf %gather3A_91, %get3A_130 : vector<16xf32>
      %add3A_132 = arith.addf %broadcast_in_dim3A_85, %mul3A_131 : vector<16xf32>
      %get3A_133 = arith.constant 0 : i32
      %get3A_134 = arith.index_cast %get3A_133 : i32 to index
      %get3A_135 = arith.constant 112 : index
      %get3A_136 = tpu.vector_load %arg10[%get3A_134, %get3A_135] {strides = array<i32>} : memref<16x128xf32, #tpu.memory_space<vmem>>, vector<16xf32>,
      %mul3A_137 = arith.mulf %gather3A_91, %get3A_136 : vector<16xf32>
      %add3A_138 = arith.addf %broadcast_in_dim3A_87, %mul3A_137 : vector<16xf32>
      %broadcast_in_dim3A_139 = arith.constant 1 : i32
      %broadcast_in_dim3A_140 = vector.broadcast %broadcast_in_dim3A_139 : i32 to vector<16x1xi32>
      %gather3A_141 = vector.shape_cast %broadcast_in_dim3A_140 : vector<16x1xi32> to vector<16xi32>
      %gather3A_142 = tpu.dynamic_gather %gather3A_71[%gather3A_141] in [0] : vector<16xf32>, vector<16xi32> -> vector<16xf32>
      %get3A_143 = arith.constant 1 : i32
      %get3A_144 = arith.index_cast %get3A_143 : i32 to index
      %get3A_145 = arith.constant 0 : index
      %get3A_146 = tpu.vector_load %arg10[%get3A_144, %get3A_145] {strides = array<i32>} : memref<16x128xf32, #tpu.memory_space<vmem>>, vector<16xf32>,
      %mul3A_147 = arith.mulf %gather3A_142, %get3A_146 : vector<16xf32>
      %add3A_148 = arith.addf %add3A, %mul3A_147 : vector<16xf32>
      %get3A_149 = arith.constant 1 : i32
      %get3A_150 = arith.index_cast %get3A_149 : i32 to index
      %get3A_151 = arith.constant 16 : index
      %get3A_152 = tpu.vector_load %arg10[%get3A_150, %get3A_151] {strides = array<i32>} : memref<16x128xf32, #tpu.memory_space<vmem>>, vector<16xf32>,
      %mul3A_153 = arith.mulf %gather3A_142, %get3A_152 : vector<16xf32>
      %add3A_154 = arith.addf %add3A_102, %mul3A_153 : vector<16xf32>
      %get3A_155 = arith.constant 1 : i32
      %get3A_156 = arith.index_cast %get3A_155 : i32 to index
      %get3A_157 = arith.constant 32 : index
      %get3A_158 = tpu.vector_load %arg10[%get3A_156, %get3A_157] {strides = array<i32>} : memref<16x128xf32, #tpu.memory_space<vmem>>, vector<16xf32>,
      %mul3A_159 = arith.mulf %gather3A_142, %get3A_158 : vector<16xf32>
      %add3A_160 = arith.addf %add3A_108, %mul3A_159 : vector<16xf32>
      %get3A_161 = arith.constant 1 : i32
      %get3A_162 = arith.index_cast %get3A_161 : i32 to index
      %get3A_163 = arith.constant 48 : index
      %get3A_164 = tpu.vector_load %arg10[%get3A_162, %get3A_163] {strides = array<i32>} : memref<16x128xf32, #tpu.memory_space<vmem>>, vector<16xf32>,
      %mul3A_165 = arith.mulf %gather3A_142, %get3A_164 : vector<16xf32>
      %add3A_166 = arith.addf %add3A_114, %mul3A_165 : vector<16xf32>
      %get3A_167 = arith.constant 1 : i32
      %get3A_168 = arith.index_cast %get3A_167 : i32 to index
      %get3A_169 = arith.constant 64 : index
      %get3A_170 = tpu.vector_load %arg10[%get3A_168, %get3A_169] {strides = array<i32>} : memref<16x128xf32, #tpu.memory_space<vmem>>, vector<16xf32>,
      %mul3A_171 = arith.mulf %gather3A_142, %get3A_170 : vector<16xf32>
      %add3A_172 = arith.addf %add3A_120, %mul3A_171 : vector<16xf32>
      %get3A_173 = arith.constant 1 : i32
      %get3A_174 = arith.index_cast %get3A_173 : i32 to index
      %get3A_175 = arith.constant 80 : index
      %get3A_176 = tpu.vector_load %arg10[%get3A_174, %get3A_175] {strides = array<i32>} : memref<16x128xf32, #tpu.memory_space<vmem>>, vector<16xf32>,
      %mul3A_177 = arith.mulf %gather3A_142, %get3A_176 : vector<16xf32>
      %add3A_178 = arith.addf %add3A_126, %mul3A_177 : vector<16xf32>
      %get3A_179 = arith.constant 1 : i32
      %get3A_180 = arith.index_cast %get3A_179 : i32 to index
      %get3A_181 = arith.constant 96 : index
      %get3A_182 = tpu.vector_load %arg10[%get3A_180, %get3A_181] {strides = array<i32>} : memref<16x128xf32, #tpu.memory_space<vmem>>, vector<16xf32>,
      %mul3A_183 = arith.mulf %gather3A_142, %get3A_182 : vector<16xf32>
      %add3A_184 = arith.addf %add3A_132, %mul3A_183 : vector<16xf32>
      %get3A_185 = arith.constant 1 : i32
      %get3A_186 = arith.index_cast %get3A_185 : i32 to index
      %get3A_187 = arith.constant 112 : index
      %get3A_188 = tpu.vector_load %arg10[%get3A_186, %get3A_187] {strides = array<i32>} : memref<16x128xf32, #tpu.memory_space<vmem>>, vector<16xf32>,
      %mul3A_189 = arith.mulf %gather3A_142, %get3A_188 : vector<16xf32>
      %add3A_190 = arith.addf %add3A_138, %mul3A_189 : vector<16xf32>
      %broadcast_in_dim3A_191 = arith.constant 2 : i32
      %broadcast_in_dim3A_192 = vector.broadcast %broadcast_in_dim3A_191 : i32 to vector<16x1xi32>
      %gather3A_193 = vector.shape_cast %broadcast_in_dim3A_192 : vector<16x1xi32> to vector<16xi32>
      %gather3A_194 = tpu.dynamic_gather %gather3A_71[%gather3A_193] in [0] : vector<16xf32>, vector<16xi32> -> vector<16xf32>
      %get3A_195 = arith.constant 2 : i32
      %get3A_196 = arith.index_cast %get3A_195 : i32 to index
      %get3A_197 = arith.constant 0 : index
      %get3A_198 = tpu.vector_load %arg10[%get3A_196, %get3A_197] {strides = array<i32>} : memref<16x128xf32, #tpu.memory_space<vmem>>, vector<16xf32>,
      %mul3A_199 = arith.mulf %gather3A_194, %get3A_198 : vector<16xf32>
      %add3A_200 = arith.addf %add3A_148, %mul3A_199 : vector<16xf32>
      %get3A_201 = arith.constant 2 : i32
      %get3A_202 = arith.index_cast %get3A_201 : i32 to index
      %get3A_203 = arith.constant 16 : index
      %get3A_204 = tpu.vector_load %arg10[%get3A_202, %get3A_203] {strides = array<i32>} : memref<16x128xf32, #tpu.memory_space<vmem>>, vector<16xf32>,
      %mul3A_205 = arith.mulf %gather3A_194, %get3A_204 : vector<16xf32>
      %add3A_206 = arith.addf %add3A_154, %mul3A_205 : vector<16xf32>
      %get3A_207 = arith.constant 2 : i32
      %get3A_208 = arith.index_cast %get3A_207 : i32 to index
      %get3A_209 = arith.constant 32 : index
      %get3A_210 = tpu.vector_load %arg10[%get3A_208, %get3A_209] {strides = array<i32>} : memref<16x128xf32, #tpu.memory_space<vmem>>, vector<16xf32>,
      %mul3A_211 = arith.mulf %gather3A_194, %get3A_210 : vector<16xf32>
      %add3A_212 = arith.addf %add3A_160, %mul3A_211 : vector<16xf32>
      %get3A_213 = arith.constant 2 : i32
      %get3A_214 = arith.index_cast %get3A_213 : i32 to index
      %get3A_215 = arith.constant 48 : index
      %get3A_216 = tpu.vector_load %arg10[%get3A_214, %get3A_215] {strides = array<i32>} : memref<16x128xf32, #tpu.memory_space<vmem>>, vector<16xf32>,
      %mul3A_217 = arith.mulf %gather3A_194, %get3A_216 : vector<16xf32>
      %add3A_218 = arith.addf %add3A_166, %mul3A_217 : vector<16xf32>
      %get3A_219 = arith.constant 2 : i32
      %get3A_220 = arith.index_cast %get3A_219 : i32 to index
      %get3A_221 = arith.constant 64 : index
      %get3A_222 = tpu.vector_load %arg10[%get3A_220, %get3A_221] {strides = array<i32>} : memref<16x128xf32, #tpu.memory_space<vmem>>, vector<16xf32>,
      %mul3A_223 = arith.mulf %gather3A_194, %get3A_222 : vector<16xf32>
      %add3A_224 = arith.addf %add3A_172, %mul3A_223 : vector<16xf32>
      %get3A_225 = arith.constant 2 : i32
      %get3A_226 = arith.index_cast %get3A_225 : i32 to index
      %get3A_227 = arith.constant 80 : index
      %get3A_228 = tpu.vector_load %arg10[%get3A_226, %get3A_227] {strides = array<i32>} : memref<16x128xf32, #tpu.memory_space<vmem>>, vector<16xf32>,
      %mul3A_229 = arith.mulf %gather3A_194, %get3A_228 : vector<16xf32>
      %add3A_230 = arith.addf %add3A_178, %mul3A_229 : vector<16xf32>
      %get3A_231 = arith.constant 2 : i32
      %get3A_232 = arith.index_cast %get3A_231 : i32 to index
      %get3A_233 = arith.constant 96 : index
      %get3A_234 = tpu.vector_load %arg10[%get3A_232, %get3A_233] {strides = array<i32>} : memref<16x128xf32, #tpu.memory_space<vmem>>, vector<16xf32>,
      %mul3A_235 = arith.mulf %gather3A_194, %get3A_234 : vector<16xf32>
      %add3A_236 = arith.addf %add3A_184, %mul3A_235 : vector<16xf32>
      %get3A_237 = arith.constant 2 : i32
      %get3A_238 = arith.index_cast %get3A_237 : i32 to index
      %get3A_239 = arith.constant 112 : index
      %get3A_240 = tpu.vector_load %arg10[%get3A_238, %get3A_239] {strides = array<i32>} : memref<16x128xf32, #tpu.memory_space<vmem>>, vector<16xf32>,
      %mul3A_241 = arith.mulf %gather3A_194, %get3A_240 : vector<16xf32>
      %add3A_242 = arith.addf %add3A_190, %mul3A_241 : vector<16xf32>
      %broadcast_in_dim3A_243 = arith.constant 3 : i32
      %broadcast_in_dim3A_244 = vector.broadcast %broadcast_in_dim3A_243 : i32 to vector<16x1xi32>
      %gather3A_245 = vector.shape_cast %broadcast_in_dim3A_244 : vector<16x1xi32> to vector<16xi32>
      %gather3A_246 = tpu.dynamic_gather %gather3A_71[%gather3A_245] in [0] : vector<16xf32>, vector<16xi32> -> vector<16xf32>
      %get3A_247 = arith.constant 3 : i32
      %get3A_248 = arith.index_cast %get3A_247 : i32 to index
      %get3A_249 = arith.constant 0 : index
      %get3A_250 = tpu.vector_load %arg10[%get3A_248, %get3A_249] {strides = array<i32>} : memref<16x128xf32, #tpu.memory_space<vmem>>, vector<16xf32>,
      %mul3A_251 = arith.mulf %gather3A_246, %get3A_250 : vector<16xf32>
      %add3A_252 = arith.addf %add3A_200, %mul3A_251 : vector<16xf32>
      %get3A_253 = arith.constant 3 : i32
      %get3A_254 = arith.index_cast %get3A_253 : i32 to index
      %get3A_255 = arith.constant 16 : index
      %get3A_256 = tpu.vector_load %arg10[%get3A_254, %get3A_255] {strides = array<i32>} : memref<16x128xf32, #tpu.memory_space<vmem>>, vector<16xf32>,
      %mul3A_257 = arith.mulf %gather3A_246, %get3A_256 : vector<16xf32>
      %add3A_258 = arith.addf %add3A_206, %mul3A_257 : vector<16xf32>
      %get3A_259 = arith.constant 3 : i32
      %get3A_260 = arith.index_cast %get3A_259 : i32 to index
      %get3A_261 = arith.constant 32 : index
      %get3A_262 = tpu.vector_load %arg10[%get3A_260, %get3A_261] {strides = array<i32>} : memref<16x128xf32, #tpu.memory_space<vmem>>, vector<16xf32>,
      %mul3A_263 = arith.mulf %gather3A_246, %get3A_262 : vector<16xf32>
      %add3A_264 = arith.addf %add3A_212, %mul3A_263 : vector<16xf32>
      %get3A_265 = arith.constant 3 : i32
      %get3A_266 = arith.index_cast %get3A_265 : i32 to index
      %get3A_267 = arith.constant 48 : index
      %get3A_268 = tpu.vector_load %arg10[%get3A_266, %get3A_267] {strides = array<i32>} : memref<16x128xf32, #tpu.memory_space<vmem>>, vector<16xf32>,
      %mul3A_269 = arith.mulf %gather3A_246, %get3A_268 : vector<16xf32>
      %add3A_270 = arith.addf %add3A_218, %mul3A_269 : vector<16xf32>
      %get3A_271 = arith.constant 3 : i32
      %get3A_272 = arith.index_cast %get3A_271 : i32 to index
      %get3A_273 = arith.constant 64 : index
      %get3A_274 = tpu.vector_load %arg10[%get3A_272, %get3A_273] {strides = array<i32>} : memref<16x128xf32, #tpu.memory_space<vmem>>, vector<16xf32>,
      %mul3A_275 = arith.mulf %gather3A_246, %get3A_274 : vector<16xf32>
      %add3A_276 = arith.addf %add3A_224, %mul3A_275 : vector<16xf32>
      %get3A_277 = arith.constant 3 : i32
      %get3A_278 = arith.index_cast %get3A_277 : i32 to index
      %get3A_279 = arith.constant 80 : index
      %get3A_280 = tpu.vector_load %arg10[%get3A_278, %get3A_279] {strides = array<i32>} : memref<16x128xf32, #tpu.memory_space<vmem>>, vector<16xf32>,
      %mul3A_281 = arith.mulf %gather3A_246, %get3A_280 : vector<16xf32>
      %add3A_282 = arith.addf %add3A_230, %mul3A_281 : vector<16xf32>
      %get3A_283 = arith.constant 3 : i32
      %get3A_284 = arith.index_cast %get3A_283 : i32 to index
      %get3A_285 = arith.constant 96 : index
      %get3A_286 = tpu.vector_load %arg10[%get3A_284, %get3A_285] {strides = array<i32>} : memref<16x128xf32, #tpu.memory_space<vmem>>, vector<16xf32>,
      %mul3A_287 = arith.mulf %gather3A_246, %get3A_286 : vector<16xf32>
      %add3A_288 = arith.addf %add3A_236, %mul3A_287 : vector<16xf32>
      %get3A_289 = arith.constant 3 : i32
      %get3A_290 = arith.index_cast %get3A_289 : i32 to index
      %get3A_291 = arith.constant 112 : index
      %get3A_292 = tpu.vector_load %arg10[%get3A_290, %get3A_291] {strides = array<i32>} : memref<16x128xf32, #tpu.memory_space<vmem>>, vector<16xf32>,
      %mul3A_293 = arith.mulf %gather3A_246, %get3A_292 : vector<16xf32>
      %add3A_294 = arith.addf %add3A_242, %mul3A_293 : vector<16xf32>
      %broadcast_in_dim3A_295 = arith.constant 4 : i32
      %broadcast_in_dim3A_296 = vector.broadcast %broadcast_in_dim3A_295 : i32 to vector<16x1xi32>
      %gather3A_297 = vector.shape_cast %broadcast_in_dim3A_296 : vector<16x1xi32> to vector<16xi32>
      %gather3A_298 = tpu.dynamic_gather %gather3A_71[%gather3A_297] in [0] : vector<16xf32>, vector<16xi32> -> vector<16xf32>
      %get3A_299 = arith.constant 4 : i32
      %get3A_300 = arith.index_cast %get3A_299 : i32 to index
      %get3A_301 = arith.constant 0 : index
      %get3A_302 = tpu.vector_load %arg10[%get3A_300, %get3A_301] {strides = array<i32>} : memref<16x128xf32, #tpu.memory_space<vmem>>, vector<16xf32>,
      %mul3A_303 = arith.mulf %gather3A_298, %get3A_302 : vector<16xf32>
      %add3A_304 = arith.addf %add3A_252, %mul3A_303 : vector<16xf32>
      %get3A_305 = arith.constant 4 : i32
      %get3A_306 = arith.index_cast %get3A_305 : i32 to index
      %get3A_307 = arith.constant 16 : index
      %get3A_308 = tpu.vector_load %arg10[%get3A_306, %get3A_307] {strides = array<i32>} : memref<16x128xf32, #tpu.memory_space<vmem>>, vector<16xf32>,
      %mul3A_309 = arith.mulf %gather3A_298, %get3A_308 : vector<16xf32>
      %add3A_310 = arith.addf %add3A_258, %mul3A_309 : vector<16xf32>
      %get3A_311 = arith.constant 4 : i32
      %get3A_312 = arith.index_cast %get3A_311 : i32 to index
      %get3A_313 = arith.constant 32 : index
      %get3A_314 = tpu.vector_load %arg10[%get3A_312, %get3A_313] {strides = array<i32>} : memref<16x128xf32, #tpu.memory_space<vmem>>, vector<16xf32>,
      %mul3A_315 = arith.mulf %gather3A_298, %get3A_314 : vector<16xf32>
      %add3A_316 = arith.addf %add3A_264, %mul3A_315 : vector<16xf32>
      %get3A_317 = arith.constant 4 : i32
      %get3A_318 = arith.index_cast %get3A_317 : i32 to index
      %get3A_319 = arith.constant 48 : index
      %get3A_320 = tpu.vector_load %arg10[%get3A_318, %get3A_319] {strides = array<i32>} : memref<16x128xf32, #tpu.memory_space<vmem>>, vector<16xf32>,
      %mul3A_321 = arith.mulf %gather3A_298, %get3A_320 : vector<16xf32>
      %add3A_322 = arith.addf %add3A_270, %mul3A_321 : vector<16xf32>
      %get3A_323 = arith.constant 4 : i32
      %get3A_324 = arith.index_cast %get3A_323 : i32 to index
      %get3A_325 = arith.constant 64 : index
      %get3A_326 = tpu.vector_load %arg10[%get3A_324, %get3A_325] {strides = array<i32>} : memref<16x128xf32, #tpu.memory_space<vmem>>, vector<16xf32>,
      %mul3A_327 = arith.mulf %gather3A_298, %get3A_326 : vector<16xf32>
      %add3A_328 = arith.addf %add3A_276, %mul3A_327 : vector<16xf32>
      %get3A_329 = arith.constant 4 : i32
      %get3A_330 = arith.index_cast %get3A_329 : i32 to index
      %get3A_331 = arith.constant 80 : index
      %get3A_332 = tpu.vector_load %arg10[%get3A_330, %get3A_331] {strides = array<i32>} : memref<16x128xf32, #tpu.memory_space<vmem>>, vector<16xf32>,
      %mul3A_333 = arith.mulf %gather3A_298, %get3A_332 : vector<16xf32>
      %add3A_334 = arith.addf %add3A_282, %mul3A_333 : vector<16xf32>
      %get3A_335 = arith.constant 4 : i32
      %get3A_336 = arith.index_cast %get3A_335 : i32 to index
      %get3A_337 = arith.constant 96 : index
      %get3A_338 = tpu.vector_load %arg10[%get3A_336, %get3A_337] {strides = array<i32>} : memref<16x128xf32, #tpu.memory_space<vmem>>, vector<16xf32>,
      %mul3A_339 = arith.mulf %gather3A_298, %get3A_338 : vector<16xf32>
      %add3A_340 = arith.addf %add3A_288, %mul3A_339 : vector<16xf32>
      %get3A_341 = arith.constant 4 : i32
      %get3A_342 = arith.index_cast %get3A_341 : i32 to index
      %get3A_343 = arith.constant 112 : index
      %get3A_344 = tpu.vector_load %arg10[%get3A_342, %get3A_343] {strides = array<i32>} : memref<16x128xf32, #tpu.memory_space<vmem>>, vector<16xf32>,
      %mul3A_345 = arith.mulf %gather3A_298, %get3A_344 : vector<16xf32>
      %add3A_346 = arith.addf %add3A_294, %mul3A_345 : vector<16xf32>
      %broadcast_in_dim3A_347 = arith.constant 5 : i32
      %broadcast_in_dim3A_348 = vector.broadcast %broadcast_in_dim3A_347 : i32 to vector<16x1xi32>
      %gather3A_349 = vector.shape_cast %broadcast_in_dim3A_348 : vector<16x1xi32> to vector<16xi32>
      %gather3A_350 = tpu.dynamic_gather %gather3A_71[%gather3A_349] in [0] : vector<16xf32>, vector<16xi32> -> vector<16xf32>
      %get3A_351 = arith.constant 5 : i32
      %get3A_352 = arith.index_cast %get3A_351 : i32 to index
      %get3A_353 = arith.constant 0 : index
      %get3A_354 = tpu.vector_load %arg10[%get3A_352, %get3A_353] {strides = array<i32>} : memref<16x128xf32, #tpu.memory_space<vmem>>, vector<16xf32>,
      %mul3A_355 = arith.mulf %gather3A_350, %get3A_354 : vector<16xf32>
      %add3A_356 = arith.addf %add3A_304, %mul3A_355 : vector<16xf32>
      %get3A_357 = arith.constant 5 : i32
      %get3A_358 = arith.index_cast %get3A_357 : i32 to index
      %get3A_359 = arith.constant 16 : index
      %get3A_360 = tpu.vector_load %arg10[%get3A_358, %get3A_359] {strides = array<i32>} : memref<16x128xf32, #tpu.memory_space<vmem>>, vector<16xf32>,
      %mul3A_361 = arith.mulf %gather3A_350, %get3A_360 : vector<16xf32>
      %add3A_362 = arith.addf %add3A_310, %mul3A_361 : vector<16xf32>
      %get3A_363 = arith.constant 5 : i32
      %get3A_364 = arith.index_cast %get3A_363 : i32 to index
      %get3A_365 = arith.constant 32 : index
      %get3A_366 = tpu.vector_load %arg10[%get3A_364, %get3A_365] {strides = array<i32>} : memref<16x128xf32, #tpu.memory_space<vmem>>, vector<16xf32>,
      %mul3A_367 = arith.mulf %gather3A_350, %get3A_366 : vector<16xf32>
      %add3A_368 = arith.addf %add3A_316, %mul3A_367 : vector<16xf32>
      %get3A_369 = arith.constant 5 : i32
      %get3A_370 = arith.index_cast %get3A_369 : i32 to index
      %get3A_371 = arith.constant 48 : index
      %get3A_372 = tpu.vector_load %arg10[%get3A_370, %get3A_371] {strides = array<i32>} : memref<16x128xf32, #tpu.memory_space<vmem>>, vector<16xf32>,
      %mul3A_373 = arith.mulf %gather3A_350, %get3A_372 : vector<16xf32>
      %add3A_374 = arith.addf %add3A_322, %mul3A_373 : vector<16xf32>
      %get3A_375 = arith.constant 5 : i32
      %get3A_376 = arith.index_cast %get3A_375 : i32 to index
      %get3A_377 = arith.constant 64 : index
      %get3A_378 = tpu.vector_load %arg10[%get3A_376, %get3A_377] {strides = array<i32>} : memref<16x128xf32, #tpu.memory_space<vmem>>, vector<16xf32>,
      %mul3A_379 = arith.mulf %gather3A_350, %get3A_378 : vector<16xf32>
      %add3A_380 = arith.addf %add3A_328, %mul3A_379 : vector<16xf32>
      %get3A_381 = arith.constant 5 : i32
      %get3A_382 = arith.index_cast %get3A_381 : i32 to index
      %get3A_383 = arith.constant 80 : index
      %get3A_384 = tpu.vector_load %arg10[%get3A_382, %get3A_383] {strides = array<i32>} : memref<16x128xf32, #tpu.memory_space<vmem>>, vector<16xf32>,
      %mul3A_385 = arith.mulf %gather3A_350, %get3A_384 : vector<16xf32>
      %add3A_386 = arith.addf %add3A_334, %mul3A_385 : vector<16xf32>
      %get3A_387 = arith.constant 5 : i32
      %get3A_388 = arith.index_cast %get3A_387 : i32 to index
      %get3A_389 = arith.constant 96 : index
      %get3A_390 = tpu.vector_load %arg10[%get3A_388, %get3A_389] {strides = array<i32>} : memref<16x128xf32, #tpu.memory_space<vmem>>, vector<16xf32>,
      %mul3A_391 = arith.mulf %gather3A_350, %get3A_390 : vector<16xf32>
      %add3A_392 = arith.addf %add3A_340, %mul3A_391 : vector<16xf32>
      %get3A_393 = arith.constant 5 : i32
      %get3A_394 = arith.index_cast %get3A_393 : i32 to index
      %get3A_395 = arith.constant 112 : index
      %get3A_396 = tpu.vector_load %arg10[%get3A_394, %get3A_395] {strides = array<i32>} : memref<16x128xf32, #tpu.memory_space<vmem>>, vector<16xf32>,
      %mul3A_397 = arith.mulf %gather3A_350, %get3A_396 : vector<16xf32>
      %add3A_398 = arith.addf %add3A_346, %mul3A_397 : vector<16xf32>
      %broadcast_in_dim3A_399 = arith.constant 6 : i32
      %broadcast_in_dim3A_400 = vector.broadcast %broadcast_in_dim3A_399 : i32 to vector<16x1xi32>
      %gather3A_401 = vector.shape_cast %broadcast_in_dim3A_400 : vector<16x1xi32> to vector<16xi32>
      %gather3A_402 = tpu.dynamic_gather %gather3A_71[%gather3A_401] in [0] : vector<16xf32>, vector<16xi32> -> vector<16xf32>
      %get3A_403 = arith.constant 6 : i32
      %get3A_404 = arith.index_cast %get3A_403 : i32 to index
      %get3A_405 = arith.constant 0 : index
      %get3A_406 = tpu.vector_load %arg10[%get3A_404, %get3A_405] {strides = array<i32>} : memref<16x128xf32, #tpu.memory_space<vmem>>, vector<16xf32>,
      %mul3A_407 = arith.mulf %gather3A_402, %get3A_406 : vector<16xf32>
      %add3A_408 = arith.addf %add3A_356, %mul3A_407 : vector<16xf32>
      %get3A_409 = arith.constant 6 : i32
      %get3A_410 = arith.index_cast %get3A_409 : i32 to index
      %get3A_411 = arith.constant 16 : index
      %get3A_412 = tpu.vector_load %arg10[%get3A_410, %get3A_411] {strides = array<i32>} : memref<16x128xf32, #tpu.memory_space<vmem>>, vector<16xf32>,
      %mul3A_413 = arith.mulf %gather3A_402, %get3A_412 : vector<16xf32>
      %add3A_414 = arith.addf %add3A_362, %mul3A_413 : vector<16xf32>
      %get3A_415 = arith.constant 6 : i32
      %get3A_416 = arith.index_cast %get3A_415 : i32 to index
      %get3A_417 = arith.constant 32 : index
      %get3A_418 = tpu.vector_load %arg10[%get3A_416, %get3A_417] {strides = array<i32>} : memref<16x128xf32, #tpu.memory_space<vmem>>, vector<16xf32>,
      %mul3A_419 = arith.mulf %gather3A_402, %get3A_418 : vector<16xf32>
      %add3A_420 = arith.addf %add3A_368, %mul3A_419 : vector<16xf32>
      %get3A_421 = arith.constant 6 : i32
      %get3A_422 = arith.index_cast %get3A_421 : i32 to index
      %get3A_423 = arith.constant 48 : index
      %get3A_424 = tpu.vector_load %arg10[%get3A_422, %get3A_423] {strides = array<i32>} : memref<16x128xf32, #tpu.memory_space<vmem>>, vector<16xf32>,
      %mul3A_425 = arith.mulf %gather3A_402, %get3A_424 : vector<16xf32>
      %add3A_426 = arith.addf %add3A_374, %mul3A_425 : vector<16xf32>
      %get3A_427 = arith.constant 6 : i32
      %get3A_428 = arith.index_cast %get3A_427 : i32 to index
      %get3A_429 = arith.constant 64 : index
      %get3A_430 = tpu.vector_load %arg10[%get3A_428, %get3A_429] {strides = array<i32>} : memref<16x128xf32, #tpu.memory_space<vmem>>, vector<16xf32>,
      %mul3A_431 = arith.mulf %gather3A_402, %get3A_430 : vector<16xf32>
      %add3A_432 = arith.addf %add3A_380, %mul3A_431 : vector<16xf32>
      %get3A_433 = arith.constant 6 : i32
      %get3A_434 = arith.index_cast %get3A_433 : i32 to index
      %get3A_435 = arith.constant 80 : index
      %get3A_436 = tpu.vector_load %arg10[%get3A_434, %get3A_435] {strides = array<i32>} : memref<16x128xf32, #tpu.memory_space<vmem>>, vector<16xf32>,
      %mul3A_437 = arith.mulf %gather3A_402, %get3A_436 : vector<16xf32>
      %add3A_438 = arith.addf %add3A_386, %mul3A_437 : vector<16xf32>
      %get3A_439 = arith.constant 6 : i32
      %get3A_440 = arith.index_cast %get3A_439 : i32 to index
      %get3A_441 = arith.constant 96 : index
      %get3A_442 = tpu.vector_load %arg10[%get3A_440, %get3A_441] {strides = array<i32>} : memref<16x128xf32, #tpu.memory_space<vmem>>, vector<16xf32>,
      %mul3A_443 = arith.mulf %gather3A_402, %get3A_442 : vector<16xf32>
      %add3A_444 = arith.addf %add3A_392, %mul3A_443 : vector<16xf32>
      %get3A_445 = arith.constant 6 : i32
      %get3A_446 = arith.index_cast %get3A_445 : i32 to index
      %get3A_447 = arith.constant 112 : index
      %get3A_448 = tpu.vector_load %arg10[%get3A_446, %get3A_447] {strides = array<i32>} : memref<16x128xf32, #tpu.memory_space<vmem>>, vector<16xf32>,
      %mul3A_449 = arith.mulf %gather3A_402, %get3A_448 : vector<16xf32>
      %add3A_450 = arith.addf %add3A_398, %mul3A_449 : vector<16xf32>
      %broadcast_in_dim3A_451 = arith.constant 7 : i32
      %broadcast_in_dim3A_452 = vector.broadcast %broadcast_in_dim3A_451 : i32 to vector<16x1xi32>
      %gather3A_453 = vector.shape_cast %broadcast_in_dim3A_452 : vector<16x1xi32> to vector<16xi32>
      %gather3A_454 = tpu.dynamic_gather %gather3A_71[%gather3A_453] in [0] : vector<16xf32>, vector<16xi32> -> vector<16xf32>
      %get3A_455 = arith.constant 7 : i32
      %get3A_456 = arith.index_cast %get3A_455 : i32 to index
      %get3A_457 = arith.constant 0 : index
      %get3A_458 = tpu.vector_load %arg10[%get3A_456, %get3A_457] {strides = array<i32>} : memref<16x128xf32, #tpu.memory_space<vmem>>, vector<16xf32>,
      %mul3A_459 = arith.mulf %gather3A_454, %get3A_458 : vector<16xf32>
      %add3A_460 = arith.addf %add3A_408, %mul3A_459 : vector<16xf32>
      %get3A_461 = arith.constant 7 : i32
      %get3A_462 = arith.index_cast %get3A_461 : i32 to index
      %get3A_463 = arith.constant 16 : index
      %get3A_464 = tpu.vector_load %arg10[%get3A_462, %get3A_463] {strides = array<i32>} : memref<16x128xf32, #tpu.memory_space<vmem>>, vector<16xf32>,
      %mul3A_465 = arith.mulf %gather3A_454, %get3A_464 : vector<16xf32>
      %add3A_466 = arith.addf %add3A_414, %mul3A_465 : vector<16xf32>
      %get3A_467 = arith.constant 7 : i32
      %get3A_468 = arith.index_cast %get3A_467 : i32 to index
      %get3A_469 = arith.constant 32 : index
      %get3A_470 = tpu.vector_load %arg10[%get3A_468, %get3A_469] {strides = array<i32>} : memref<16x128xf32, #tpu.memory_space<vmem>>, vector<16xf32>,
      %mul3A_471 = arith.mulf %gather3A_454, %get3A_470 : vector<16xf32>
      %add3A_472 = arith.addf %add3A_420, %mul3A_471 : vector<16xf32>
      %get3A_473 = arith.constant 7 : i32
      %get3A_474 = arith.index_cast %get3A_473 : i32 to index
      %get3A_475 = arith.constant 48 : index
      %get3A_476 = tpu.vector_load %arg10[%get3A_474, %get3A_475] {strides = array<i32>} : memref<16x128xf32, #tpu.memory_space<vmem>>, vector<16xf32>,
      %mul3A_477 = arith.mulf %gather3A_454, %get3A_476 : vector<16xf32>
      %add3A_478 = arith.addf %add3A_426, %mul3A_477 : vector<16xf32>
      %get3A_479 = arith.constant 7 : i32
      %get3A_480 = arith.index_cast %get3A_479 : i32 to index
      %get3A_481 = arith.constant 64 : index
      %get3A_482 = tpu.vector_load %arg10[%get3A_480, %get3A_481] {strides = array<i32>} : memref<16x128xf32, #tpu.memory_space<vmem>>, vector<16xf32>,
      %mul3A_483 = arith.mulf %gather3A_454, %get3A_482 : vector<16xf32>
      %add3A_484 = arith.addf %add3A_432, %mul3A_483 : vector<16xf32>
      %get3A_485 = arith.constant 7 : i32
      %get3A_486 = arith.index_cast %get3A_485 : i32 to index
      %get3A_487 = arith.constant 80 : index
      %get3A_488 = tpu.vector_load %arg10[%get3A_486, %get3A_487] {strides = array<i32>} : memref<16x128xf32, #tpu.memory_space<vmem>>, vector<16xf32>,
      %mul3A_489 = arith.mulf %gather3A_454, %get3A_488 : vector<16xf32>
      %add3A_490 = arith.addf %add3A_438, %mul3A_489 : vector<16xf32>
      %get3A_491 = arith.constant 7 : i32
      %get3A_492 = arith.index_cast %get3A_491 : i32 to index
      %get3A_493 = arith.constant 96 : index
      %get3A_494 = tpu.vector_load %arg10[%get3A_492, %get3A_493] {strides = array<i32>} : memref<16x128xf32, #tpu.memory_space<vmem>>, vector<16xf32>,
      %mul3A_495 = arith.mulf %gather3A_454, %get3A_494 : vector<16xf32>
      %add3A_496 = arith.addf %add3A_444, %mul3A_495 : vector<16xf32>
      %get3A_497 = arith.constant 7 : i32
      %get3A_498 = arith.index_cast %get3A_497 : i32 to index
      %get3A_499 = arith.constant 112 : index
      %get3A_500 = tpu.vector_load %arg10[%get3A_498, %get3A_499] {strides = array<i32>} : memref<16x128xf32, #tpu.memory_space<vmem>>, vector<16xf32>,
      %mul3A_501 = arith.mulf %gather3A_454, %get3A_500 : vector<16xf32>
      %add3A_502 = arith.addf %add3A_450, %mul3A_501 : vector<16xf32>
      %broadcast_in_dim3A_503 = arith.constant 8 : i32
      %broadcast_in_dim3A_504 = vector.broadcast %broadcast_in_dim3A_503 : i32 to vector<16x1xi32>
      %gather3A_505 = vector.shape_cast %broadcast_in_dim3A_504 : vector<16x1xi32> to vector<16xi32>
      %gather3A_506 = tpu.dynamic_gather %gather3A_71[%gather3A_505] in [0] : vector<16xf32>, vector<16xi32> -> vector<16xf32>
      %get3A_507 = arith.constant 8 : i32
      %get3A_508 = arith.index_cast %get3A_507 : i32 to index
      %get3A_509 = arith.constant 0 : index
      %get3A_510 = tpu.vector_load %arg10[%get3A_508, %get3A_509] {strides = array<i32>} : memref<16x128xf32, #tpu.memory_space<vmem>>, vector<16xf32>,
      %mul3A_511 = arith.mulf %gather3A_506, %get3A_510 : vector<16xf32>
      %add3A_512 = arith.addf %add3A_460, %mul3A_511 : vector<16xf32>
      %get3A_513 = arith.constant 8 : i32
      %get3A_514 = arith.index_cast %get3A_513 : i32 to index
      %get3A_515 = arith.constant 16 : index
      %get3A_516 = tpu.vector_load %arg10[%get3A_514, %get3A_515] {strides = array<i32>} : memref<16x128xf32, #tpu.memory_space<vmem>>, vector<16xf32>,
      %mul3A_517 = arith.mulf %gather3A_506, %get3A_516 : vector<16xf32>
      %add3A_518 = arith.addf %add3A_466, %mul3A_517 : vector<16xf32>
      %get3A_519 = arith.constant 8 : i32
      %get3A_520 = arith.index_cast %get3A_519 : i32 to index
      %get3A_521 = arith.constant 32 : index
      %get3A_522 = tpu.vector_load %arg10[%get3A_520, %get3A_521] {strides = array<i32>} : memref<16x128xf32, #tpu.memory_space<vmem>>, vector<16xf32>,
      %mul3A_523 = arith.mulf %gather3A_506, %get3A_522 : vector<16xf32>
      %add3A_524 = arith.addf %add3A_472, %mul3A_523 : vector<16xf32>
      %get3A_525 = arith.constant 8 : i32
      %get3A_526 = arith.index_cast %get3A_525 : i32 to index
      %get3A_527 = arith.constant 48 : index
      %get3A_528 = tpu.vector_load %arg10[%get3A_526, %get3A_527] {strides = array<i32>} : memref<16x128xf32, #tpu.memory_space<vmem>>, vector<16xf32>,
      %mul3A_529 = arith.mulf %gather3A_506, %get3A_528 : vector<16xf32>
      %add3A_530 = arith.addf %add3A_478, %mul3A_529 : vector<16xf32>
      %get3A_531 = arith.constant 8 : i32
      %get3A_532 = arith.index_cast %get3A_531 : i32 to index
      %get3A_533 = arith.constant 64 : index
      %get3A_534 = tpu.vector_load %arg10[%get3A_532, %get3A_533] {strides = array<i32>} : memref<16x128xf32, #tpu.memory_space<vmem>>, vector<16xf32>,
      %mul3A_535 = arith.mulf %gather3A_506, %get3A_534 : vector<16xf32>
      %add3A_536 = arith.addf %add3A_484, %mul3A_535 : vector<16xf32>
      %get3A_537 = arith.constant 8 : i32
      %get3A_538 = arith.index_cast %get3A_537 : i32 to index
      %get3A_539 = arith.constant 80 : index
      %get3A_540 = tpu.vector_load %arg10[%get3A_538, %get3A_539] {strides = array<i32>} : memref<16x128xf32, #tpu.memory_space<vmem>>, vector<16xf32>,
      %mul3A_541 = arith.mulf %gather3A_506, %get3A_540 : vector<16xf32>
      %add3A_542 = arith.addf %add3A_490, %mul3A_541 : vector<16xf32>
      %get3A_543 = arith.constant 8 : i32
      %get3A_544 = arith.index_cast %get3A_543 : i32 to index
      %get3A_545 = arith.constant 96 : index
      %get3A_546 = tpu.vector_load %arg10[%get3A_544, %get3A_545] {strides = array<i32>} : memref<16x128xf32, #tpu.memory_space<vmem>>, vector<16xf32>,
      %mul3A_547 = arith.mulf %gather3A_506, %get3A_546 : vector<16xf32>
      %add3A_548 = arith.addf %add3A_496, %mul3A_547 : vector<16xf32>
      %get3A_549 = arith.constant 8 : i32
      %get3A_550 = arith.index_cast %get3A_549 : i32 to index
      %get3A_551 = arith.constant 112 : index
      %get3A_552 = tpu.vector_load %arg10[%get3A_550, %get3A_551] {strides = array<i32>} : memref<16x128xf32, #tpu.memory_space<vmem>>, vector<16xf32>,
      %mul3A_553 = arith.mulf %gather3A_506, %get3A_552 : vector<16xf32>
      %add3A_554 = arith.addf %add3A_502, %mul3A_553 : vector<16xf32>
      %broadcast_in_dim3A_555 = arith.constant 9 : i32
      %broadcast_in_dim3A_556 = vector.broadcast %broadcast_in_dim3A_555 : i32 to vector<16x1xi32>
      %gather3A_557 = vector.shape_cast %broadcast_in_dim3A_556 : vector<16x1xi32> to vector<16xi32>
      %gather3A_558 = tpu.dynamic_gather %gather3A_71[%gather3A_557] in [0] : vector<16xf32>, vector<16xi32> -> vector<16xf32>
      %get3A_559 = arith.constant 9 : i32
      %get3A_560 = arith.index_cast %get3A_559 : i32 to index
      %get3A_561 = arith.constant 0 : index
      %get3A_562 = tpu.vector_load %arg10[%get3A_560, %get3A_561] {strides = array<i32>} : memref<16x128xf32, #tpu.memory_space<vmem>>, vector<16xf32>,
      %mul3A_563 = arith.mulf %gather3A_558, %get3A_562 : vector<16xf32>
      %add3A_564 = arith.addf %add3A_512, %mul3A_563 : vector<16xf32>
      %get3A_565 = arith.constant 9 : i32
      %get3A_566 = arith.index_cast %get3A_565 : i32 to index
      %get3A_567 = arith.constant 16 : index
      %get3A_568 = tpu.vector_load %arg10[%get3A_566, %get3A_567] {strides = array<i32>} : memref<16x128xf32, #tpu.memory_space<vmem>>, vector<16xf32>,
      %mul3A_569 = arith.mulf %gather3A_558, %get3A_568 : vector<16xf32>
      %add3A_570 = arith.addf %add3A_518, %mul3A_569 : vector<16xf32>
      %get3A_571 = arith.constant 9 : i32
      %get3A_572 = arith.index_cast %get3A_571 : i32 to index
      %get3A_573 = arith.constant 32 : index
      %get3A_574 = tpu.vector_load %arg10[%get3A_572, %get3A_573] {strides = array<i32>} : memref<16x128xf32, #tpu.memory_space<vmem>>, vector<16xf32>,
      %mul3A_575 = arith.mulf %gather3A_558, %get3A_574 : vector<16xf32>
      %add3A_576 = arith.addf %add3A_524, %mul3A_575 : vector<16xf32>
      %get3A_577 = arith.constant 9 : i32
      %get3A_578 = arith.index_cast %get3A_577 : i32 to index
      %get3A_579 = arith.constant 48 : index
      %get3A_580 = tpu.vector_load %arg10[%get3A_578, %get3A_579] {strides = array<i32>} : memref<16x128xf32, #tpu.memory_space<vmem>>, vector<16xf32>,
      %mul3A_581 = arith.mulf %gather3A_558, %get3A_580 : vector<16xf32>
      %add3A_582 = arith.addf %add3A_530, %mul3A_581 : vector<16xf32>
      %get3A_583 = arith.constant 9 : i32
      %get3A_584 = arith.index_cast %get3A_583 : i32 to index
      %get3A_585 = arith.constant 64 : index
      %get3A_586 = tpu.vector_load %arg10[%get3A_584, %get3A_585] {strides = array<i32>} : memref<16x128xf32, #tpu.memory_space<vmem>>, vector<16xf32>,
      %mul3A_587 = arith.mulf %gather3A_558, %get3A_586 : vector<16xf32>
      %add3A_588 = arith.addf %add3A_536, %mul3A_587 : vector<16xf32>
      %get3A_589 = arith.constant 9 : i32
      %get3A_590 = arith.index_cast %get3A_589 : i32 to index
      %get3A_591 = arith.constant 80 : index
      %get3A_592 = tpu.vector_load %arg10[%get3A_590, %get3A_591] {strides = array<i32>} : memref<16x128xf32, #tpu.memory_space<vmem>>, vector<16xf32>,
      %mul3A_593 = arith.mulf %gather3A_558, %get3A_592 : vector<16xf32>
      %add3A_594 = arith.addf %add3A_542, %mul3A_593 : vector<16xf32>
      %get3A_595 = arith.constant 9 : i32
      %get3A_596 = arith.index_cast %get3A_595 : i32 to index
      %get3A_597 = arith.constant 96 : index
      %get3A_598 = tpu.vector_load %arg10[%get3A_596, %get3A_597] {strides = array<i32>} : memref<16x128xf32, #tpu.memory_space<vmem>>, vector<16xf32>,
      %mul3A_599 = arith.mulf %gather3A_558, %get3A_598 : vector<16xf32>
      %add3A_600 = arith.addf %add3A_548, %mul3A_599 : vector<16xf32>
      %get3A_601 = arith.constant 9 : i32
      %get3A_602 = arith.index_cast %get3A_601 : i32 to index
      %get3A_603 = arith.constant 112 : index
      %get3A_604 = tpu.vector_load %arg10[%get3A_602, %get3A_603] {strides = array<i32>} : memref<16x128xf32, #tpu.memory_space<vmem>>, vector<16xf32>,
      %mul3A_605 = arith.mulf %gather3A_558, %get3A_604 : vector<16xf32>
      %add3A_606 = arith.addf %add3A_554, %mul3A_605 : vector<16xf32>
      %broadcast_in_dim3A_607 = arith.constant 10 : i32
      %broadcast_in_dim3A_608 = vector.broadcast %broadcast_in_dim3A_607 : i32 to vector<16x1xi32>
      %gather3A_609 = vector.shape_cast %broadcast_in_dim3A_608 : vector<16x1xi32> to vector<16xi32>
      %gather3A_610 = tpu.dynamic_gather %gather3A_71[%gather3A_609] in [0] : vector<16xf32>, vector<16xi32> -> vector<16xf32>
      %get3A_611 = arith.constant 10 : i32
      %get3A_612 = arith.index_cast %get3A_611 : i32 to index
      %get3A_613 = arith.constant 0 : index
      %get3A_614 = tpu.vector_load %arg10[%get3A_612, %get3A_613] {strides = array<i32>} : memref<16x128xf32, #tpu.memory_space<vmem>>, vector<16xf32>,
      %mul3A_615 = arith.mulf %gather3A_610, %get3A_614 : vector<16xf32>
      %add3A_616 = arith.addf %add3A_564, %mul3A_615 : vector<16xf32>
      %get3A_617 = arith.constant 10 : i32
      %get3A_618 = arith.index_cast %get3A_617 : i32 to index
      %get3A_619 = arith.constant 16 : index
      %get3A_620 = tpu.vector_load %arg10[%get3A_618, %get3A_619] {strides = array<i32>} : memref<16x128xf32, #tpu.memory_space<vmem>>, vector<16xf32>,
      %mul3A_621 = arith.mulf %gather3A_610, %get3A_620 : vector<16xf32>
      %add3A_622 = arith.addf %add3A_570, %mul3A_621 : vector<16xf32>
      %get3A_623 = arith.constant 10 : i32
      %get3A_624 = arith.index_cast %get3A_623 : i32 to index
      %get3A_625 = arith.constant 32 : index
      %get3A_626 = tpu.vector_load %arg10[%get3A_624, %get3A_625] {strides = array<i32>} : memref<16x128xf32, #tpu.memory_space<vmem>>, vector<16xf32>,
      %mul3A_627 = arith.mulf %gather3A_610, %get3A_626 : vector<16xf32>
      %add3A_628 = arith.addf %add3A_576, %mul3A_627 : vector<16xf32>
      %get3A_629 = arith.constant 10 : i32
      %get3A_630 = arith.index_cast %get3A_629 : i32 to index
      %get3A_631 = arith.constant 48 : index
      %get3A_632 = tpu.vector_load %arg10[%get3A_630, %get3A_631] {strides = array<i32>} : memref<16x128xf32, #tpu.memory_space<vmem>>, vector<16xf32>,
      %mul3A_633 = arith.mulf %gather3A_610, %get3A_632 : vector<16xf32>
      %add3A_634 = arith.addf %add3A_582, %mul3A_633 : vector<16xf32>
      %get3A_635 = arith.constant 10 : i32
      %get3A_636 = arith.index_cast %get3A_635 : i32 to index
      %get3A_637 = arith.constant 64 : index
      %get3A_638 = tpu.vector_load %arg10[%get3A_636, %get3A_637] {strides = array<i32>} : memref<16x128xf32, #tpu.memory_space<vmem>>, vector<16xf32>,
      %mul3A_639 = arith.mulf %gather3A_610, %get3A_638 : vector<16xf32>
      %add3A_640 = arith.addf %add3A_588, %mul3A_639 : vector<16xf32>
      %get3A_641 = arith.constant 10 : i32
      %get3A_642 = arith.index_cast %get3A_641 : i32 to index
      %get3A_643 = arith.constant 80 : index
      %get3A_644 = tpu.vector_load %arg10[%get3A_642, %get3A_643] {strides = array<i32>} : memref<16x128xf32, #tpu.memory_space<vmem>>, vector<16xf32>,
      %mul3A_645 = arith.mulf %gather3A_610, %get3A_644 : vector<16xf32>
      %add3A_646 = arith.addf %add3A_594, %mul3A_645 : vector<16xf32>
      %get3A_647 = arith.constant 10 : i32
      %get3A_648 = arith.index_cast %get3A_647 : i32 to index
      %get3A_649 = arith.constant 96 : index
      %get3A_650 = tpu.vector_load %arg10[%get3A_648, %get3A_649] {strides = array<i32>} : memref<16x128xf32, #tpu.memory_space<vmem>>, vector<16xf32>,
      %mul3A_651 = arith.mulf %gather3A_610, %get3A_650 : vector<16xf32>
      %add3A_652 = arith.addf %add3A_600, %mul3A_651 : vector<16xf32>
      %get3A_653 = arith.constant 10 : i32
      %get3A_654 = arith.index_cast %get3A_653 : i32 to index
      %get3A_655 = arith.constant 112 : index
      %get3A_656 = tpu.vector_load %arg10[%get3A_654, %get3A_655] {strides = array<i32>} : memref<16x128xf32, #tpu.memory_space<vmem>>, vector<16xf32>,
      %mul3A_657 = arith.mulf %gather3A_610, %get3A_656 : vector<16xf32>
      %add3A_658 = arith.addf %add3A_606, %mul3A_657 : vector<16xf32>
      %broadcast_in_dim3A_659 = arith.constant 11 : i32
      %broadcast_in_dim3A_660 = vector.broadcast %broadcast_in_dim3A_659 : i32 to vector<16x1xi32>
      %gather3A_661 = vector.shape_cast %broadcast_in_dim3A_660 : vector<16x1xi32> to vector<16xi32>
      %gather3A_662 = tpu.dynamic_gather %gather3A_71[%gather3A_661] in [0] : vector<16xf32>, vector<16xi32> -> vector<16xf32>
      %get3A_663 = arith.constant 11 : i32
      %get3A_664 = arith.index_cast %get3A_663 : i32 to index
      %get3A_665 = arith.constant 0 : index
      %get3A_666 = tpu.vector_load %arg10[%get3A_664, %get3A_665] {strides = array<i32>} : memref<16x128xf32, #tpu.memory_space<vmem>>, vector<16xf32>,
      %mul3A_667 = arith.mulf %gather3A_662, %get3A_666 : vector<16xf32>
      %add3A_668 = arith.addf %add3A_616, %mul3A_667 : vector<16xf32>
      %get3A_669 = arith.constant 11 : i32
      %get3A_670 = arith.index_cast %get3A_669 : i32 to index
      %get3A_671 = arith.constant 16 : index
      %get3A_672 = tpu.vector_load %arg10[%get3A_670, %get3A_671] {strides = array<i32>} : memref<16x128xf32, #tpu.memory_space<vmem>>, vector<16xf32>,
      %mul3A_673 = arith.mulf %gather3A_662, %get3A_672 : vector<16xf32>
      %add3A_674 = arith.addf %add3A_622, %mul3A_673 : vector<16xf32>
      %get3A_675 = arith.constant 11 : i32
      %get3A_676 = arith.index_cast %get3A_675 : i32 to index
      %get3A_677 = arith.constant 32 : index
      %get3A_678 = tpu.vector_load %arg10[%get3A_676, %get3A_677] {strides = array<i32>} : memref<16x128xf32, #tpu.memory_space<vmem>>, vector<16xf32>,
      %mul3A_679 = arith.mulf %gather3A_662, %get3A_678 : vector<16xf32>
      %add3A_680 = arith.addf %add3A_628, %mul3A_679 : vector<16xf32>
      %get3A_681 = arith.constant 11 : i32
      %get3A_682 = arith.index_cast %get3A_681 : i32 to index
      %get3A_683 = arith.constant 48 : index
      %get3A_684 = tpu.vector_load %arg10[%get3A_682, %get3A_683] {strides = array<i32>} : memref<16x128xf32, #tpu.memory_space<vmem>>, vector<16xf32>,
      %mul3A_685 = arith.mulf %gather3A_662, %get3A_684 : vector<16xf32>
      %add3A_686 = arith.addf %add3A_634, %mul3A_685 : vector<16xf32>
      %get3A_687 = arith.constant 11 : i32
      %get3A_688 = arith.index_cast %get3A_687 : i32 to index
      %get3A_689 = arith.constant 64 : index
      %get3A_690 = tpu.vector_load %arg10[%get3A_688, %get3A_689] {strides = array<i32>} : memref<16x128xf32, #tpu.memory_space<vmem>>, vector<16xf32>,
      %mul3A_691 = arith.mulf %gather3A_662, %get3A_690 : vector<16xf32>
      %add3A_692 = arith.addf %add3A_640, %mul3A_691 : vector<16xf32>
      %get3A_693 = arith.constant 11 : i32
      %get3A_694 = arith.index_cast %get3A_693 : i32 to index
      %get3A_695 = arith.constant 80 : index
      %get3A_696 = tpu.vector_load %arg10[%get3A_694, %get3A_695] {strides = array<i32>} : memref<16x128xf32, #tpu.memory_space<vmem>>, vector<16xf32>,
      %mul3A_697 = arith.mulf %gather3A_662, %get3A_696 : vector<16xf32>
      %add3A_698 = arith.addf %add3A_646, %mul3A_697 : vector<16xf32>
      %get3A_699 = arith.constant 11 : i32
      %get3A_700 = arith.index_cast %get3A_699 : i32 to index
      %get3A_701 = arith.constant 96 : index
      %get3A_702 = tpu.vector_load %arg10[%get3A_700, %get3A_701] {strides = array<i32>} : memref<16x128xf32, #tpu.memory_space<vmem>>, vector<16xf32>,
      %mul3A_703 = arith.mulf %gather3A_662, %get3A_702 : vector<16xf32>
      %add3A_704 = arith.addf %add3A_652, %mul3A_703 : vector<16xf32>
      %get3A_705 = arith.constant 11 : i32
      %get3A_706 = arith.index_cast %get3A_705 : i32 to index
      %get3A_707 = arith.constant 112 : index
      %get3A_708 = tpu.vector_load %arg10[%get3A_706, %get3A_707] {strides = array<i32>} : memref<16x128xf32, #tpu.memory_space<vmem>>, vector<16xf32>,
      %mul3A_709 = arith.mulf %gather3A_662, %get3A_708 : vector<16xf32>
      %add3A_710 = arith.addf %add3A_658, %mul3A_709 : vector<16xf32>
      %broadcast_in_dim3A_711 = arith.constant 12 : i32
      %broadcast_in_dim3A_712 = vector.broadcast %broadcast_in_dim3A_711 : i32 to vector<16x1xi32>
      %gather3A_713 = vector.shape_cast %broadcast_in_dim3A_712 : vector<16x1xi32> to vector<16xi32>
      %gather3A_714 = tpu.dynamic_gather %gather3A_71[%gather3A_713] in [0] : vector<16xf32>, vector<16xi32> -> vector<16xf32>
      %get3A_715 = arith.constant 12 : i32
      %get3A_716 = arith.index_cast %get3A_715 : i32 to index
      %get3A_717 = arith.constant 0 : index
      %get3A_718 = tpu.vector_load %arg10[%get3A_716, %get3A_717] {strides = array<i32>} : memref<16x128xf32, #tpu.memory_space<vmem>>, vector<16xf32>,
      %mul3A_719 = arith.mulf %gather3A_714, %get3A_718 : vector<16xf32>
      %add3A_720 = arith.addf %add3A_668, %mul3A_719 : vector<16xf32>
      %get3A_721 = arith.constant 12 : i32
      %get3A_722 = arith.index_cast %get3A_721 : i32 to index
      %get3A_723 = arith.constant 16 : index
      %get3A_724 = tpu.vector_load %arg10[%get3A_722, %get3A_723] {strides = array<i32>} : memref<16x128xf32, #tpu.memory_space<vmem>>, vector<16xf32>,
      %mul3A_725 = arith.mulf %gather3A_714, %get3A_724 : vector<16xf32>
      %add3A_726 = arith.addf %add3A_674, %mul3A_725 : vector<16xf32>
      %get3A_727 = arith.constant 12 : i32
      %get3A_728 = arith.index_cast %get3A_727 : i32 to index
      %get3A_729 = arith.constant 32 : index
      %get3A_730 = tpu.vector_load %arg10[%get3A_728, %get3A_729] {strides = array<i32>} : memref<16x128xf32, #tpu.memory_space<vmem>>, vector<16xf32>,
      %mul3A_731 = arith.mulf %gather3A_714, %get3A_730 : vector<16xf32>
      %add3A_732 = arith.addf %add3A_680, %mul3A_731 : vector<16xf32>
      %get3A_733 = arith.constant 12 : i32
      %get3A_734 = arith.index_cast %get3A_733 : i32 to index
      %get3A_735 = arith.constant 48 : index
      %get3A_736 = tpu.vector_load %arg10[%get3A_734, %get3A_735] {strides = array<i32>} : memref<16x128xf32, #tpu.memory_space<vmem>>, vector<16xf32>,
      %mul3A_737 = arith.mulf %gather3A_714, %get3A_736 : vector<16xf32>
      %add3A_738 = arith.addf %add3A_686, %mul3A_737 : vector<16xf32>
      %get3A_739 = arith.constant 12 : i32
      %get3A_740 = arith.index_cast %get3A_739 : i32 to index
      %get3A_741 = arith.constant 64 : index
      %get3A_742 = tpu.vector_load %arg10[%get3A_740, %get3A_741] {strides = array<i32>} : memref<16x128xf32, #tpu.memory_space<vmem>>, vector<16xf32>,
      %mul3A_743 = arith.mulf %gather3A_714, %get3A_742 : vector<16xf32>
      %add3A_744 = arith.addf %add3A_692, %mul3A_743 : vector<16xf32>
      %get3A_745 = arith.constant 12 : i32
      %get3A_746 = arith.index_cast %get3A_745 : i32 to index
      %get3A_747 = arith.constant 80 : index
      %get3A_748 = tpu.vector_load %arg10[%get3A_746, %get3A_747] {strides = array<i32>} : memref<16x128xf32, #tpu.memory_space<vmem>>, vector<16xf32>,
      %mul3A_749 = arith.mulf %gather3A_714, %get3A_748 : vector<16xf32>
      %add3A_750 = arith.addf %add3A_698, %mul3A_749 : vector<16xf32>
      %get3A_751 = arith.constant 12 : i32
      %get3A_752 = arith.index_cast %get3A_751 : i32 to index
      %get3A_753 = arith.constant 96 : index
      %get3A_754 = tpu.vector_load %arg10[%get3A_752, %get3A_753] {strides = array<i32>} : memref<16x128xf32, #tpu.memory_space<vmem>>, vector<16xf32>,
      %mul3A_755 = arith.mulf %gather3A_714, %get3A_754 : vector<16xf32>
      %add3A_756 = arith.addf %add3A_704, %mul3A_755 : vector<16xf32>
      %get3A_757 = arith.constant 12 : i32
      %get3A_758 = arith.index_cast %get3A_757 : i32 to index
      %get3A_759 = arith.constant 112 : index
      %get3A_760 = tpu.vector_load %arg10[%get3A_758, %get3A_759] {strides = array<i32>} : memref<16x128xf32, #tpu.memory_space<vmem>>, vector<16xf32>,
      %mul3A_761 = arith.mulf %gather3A_714, %get3A_760 : vector<16xf32>
      %add3A_762 = arith.addf %add3A_710, %mul3A_761 : vector<16xf32>
      %broadcast_in_dim3A_763 = arith.constant 13 : i32
      %broadcast_in_dim3A_764 = vector.broadcast %broadcast_in_dim3A_763 : i32 to vector<16x1xi32>
      %gather3A_765 = vector.shape_cast %broadcast_in_dim3A_764 : vector<16x1xi32> to vector<16xi32>
      %gather3A_766 = tpu.dynamic_gather %gather3A_71[%gather3A_765] in [0] : vector<16xf32>, vector<16xi32> -> vector<16xf32>
      %get3A_767 = arith.constant 13 : i32
      %get3A_768 = arith.index_cast %get3A_767 : i32 to index
      %get3A_769 = arith.constant 0 : index
      %get3A_770 = tpu.vector_load %arg10[%get3A_768, %get3A_769] {strides = array<i32>} : memref<16x128xf32, #tpu.memory_space<vmem>>, vector<16xf32>,
      %mul3A_771 = arith.mulf %gather3A_766, %get3A_770 : vector<16xf32>
      %add3A_772 = arith.addf %add3A_720, %mul3A_771 : vector<16xf32>
      %get3A_773 = arith.constant 13 : i32
      %get3A_774 = arith.index_cast %get3A_773 : i32 to index
      %get3A_775 = arith.constant 16 : index
      %get3A_776 = tpu.vector_load %arg10[%get3A_774, %get3A_775] {strides = array<i32>} : memref<16x128xf32, #tpu.memory_space<vmem>>, vector<16xf32>,
      %mul3A_777 = arith.mulf %gather3A_766, %get3A_776 : vector<16xf32>
      %add3A_778 = arith.addf %add3A_726, %mul3A_777 : vector<16xf32>
      %get3A_779 = arith.constant 13 : i32
      %get3A_780 = arith.index_cast %get3A_779 : i32 to index
      %get3A_781 = arith.constant 32 : index
      %get3A_782 = tpu.vector_load %arg10[%get3A_780, %get3A_781] {strides = array<i32>} : memref<16x128xf32, #tpu.memory_space<vmem>>, vector<16xf32>,
      %mul3A_783 = arith.mulf %gather3A_766, %get3A_782 : vector<16xf32>
      %add3A_784 = arith.addf %add3A_732, %mul3A_783 : vector<16xf32>
      %get3A_785 = arith.constant 13 : i32
      %get3A_786 = arith.index_cast %get3A_785 : i32 to index
      %get3A_787 = arith.constant 48 : index
      %get3A_788 = tpu.vector_load %arg10[%get3A_786, %get3A_787] {strides = array<i32>} : memref<16x128xf32, #tpu.memory_space<vmem>>, vector<16xf32>,
      %mul3A_789 = arith.mulf %gather3A_766, %get3A_788 : vector<16xf32>
      %add3A_790 = arith.addf %add3A_738, %mul3A_789 : vector<16xf32>
      %get3A_791 = arith.constant 13 : i32
      %get3A_792 = arith.index_cast %get3A_791 : i32 to index
      %get3A_793 = arith.constant 64 : index
      %get3A_794 = tpu.vector_load %arg10[%get3A_792, %get3A_793] {strides = array<i32>} : memref<16x128xf32, #tpu.memory_space<vmem>>, vector<16xf32>,
      %mul3A_795 = arith.mulf %gather3A_766, %get3A_794 : vector<16xf32>
      %add3A_796 = arith.addf %add3A_744, %mul3A_795 : vector<16xf32>
      %get3A_797 = arith.constant 13 : i32
      %get3A_798 = arith.index_cast %get3A_797 : i32 to index
      %get3A_799 = arith.constant 80 : index
      %get3A_800 = tpu.vector_load %arg10[%get3A_798, %get3A_799] {strides = array<i32>} : memref<16x128xf32, #tpu.memory_space<vmem>>, vector<16xf32>,
      %mul3A_801 = arith.mulf %gather3A_766, %get3A_800 : vector<16xf32>
      %add3A_802 = arith.addf %add3A_750, %mul3A_801 : vector<16xf32>
      %get3A_803 = arith.constant 13 : i32
      %get3A_804 = arith.index_cast %get3A_803 : i32 to index
      %get3A_805 = arith.constant 96 : index
      %get3A_806 = tpu.vector_load %arg10[%get3A_804, %get3A_805] {strides = array<i32>} : memref<16x128xf32, #tpu.memory_space<vmem>>, vector<16xf32>,
      %mul3A_807 = arith.mulf %gather3A_766, %get3A_806 : vector<16xf32>
      %add3A_808 = arith.addf %add3A_756, %mul3A_807 : vector<16xf32>
      %get3A_809 = arith.constant 13 : i32
      %get3A_810 = arith.index_cast %get3A_809 : i32 to index
      %get3A_811 = arith.constant 112 : index
      %get3A_812 = tpu.vector_load %arg10[%get3A_810, %get3A_811] {strides = array<i32>} : memref<16x128xf32, #tpu.memory_space<vmem>>, vector<16xf32>,
      %mul3A_813 = arith.mulf %gather3A_766, %get3A_812 : vector<16xf32>
      %add3A_814 = arith.addf %add3A_762, %mul3A_813 : vector<16xf32>
      %broadcast_in_dim3A_815 = arith.constant 14 : i32
      %broadcast_in_dim3A_816 = vector.broadcast %broadcast_in_dim3A_815 : i32 to vector<16x1xi32>
      %gather3A_817 = vector.shape_cast %broadcast_in_dim3A_816 : vector<16x1xi32> to vector<16xi32>
      %gather3A_818 = tpu.dynamic_gather %gather3A_71[%gather3A_817] in [0] : vector<16xf32>, vector<16xi32> -> vector<16xf32>
      %get3A_819 = arith.constant 14 : i32
      %get3A_820 = arith.index_cast %get3A_819 : i32 to index
      %get3A_821 = arith.constant 0 : index
      %get3A_822 = tpu.vector_load %arg10[%get3A_820, %get3A_821] {strides = array<i32>} : memref<16x128xf32, #tpu.memory_space<vmem>>, vector<16xf32>,
      %mul3A_823 = arith.mulf %gather3A_818, %get3A_822 : vector<16xf32>
      %add3A_824 = arith.addf %add3A_772, %mul3A_823 : vector<16xf32>
      %get3A_825 = arith.constant 14 : i32
      %get3A_826 = arith.index_cast %get3A_825 : i32 to index
      %get3A_827 = arith.constant 16 : index
      %get3A_828 = tpu.vector_load %arg10[%get3A_826, %get3A_827] {strides = array<i32>} : memref<16x128xf32, #tpu.memory_space<vmem>>, vector<16xf32>,
      %mul3A_829 = arith.mulf %gather3A_818, %get3A_828 : vector<16xf32>
      %add3A_830 = arith.addf %add3A_778, %mul3A_829 : vector<16xf32>
      %get3A_831 = arith.constant 14 : i32
      %get3A_832 = arith.index_cast %get3A_831 : i32 to index
      %get3A_833 = arith.constant 32 : index
      %get3A_834 = tpu.vector_load %arg10[%get3A_832, %get3A_833] {strides = array<i32>} : memref<16x128xf32, #tpu.memory_space<vmem>>, vector<16xf32>,
      %mul3A_835 = arith.mulf %gather3A_818, %get3A_834 : vector<16xf32>
      %add3A_836 = arith.addf %add3A_784, %mul3A_835 : vector<16xf32>
      %get3A_837 = arith.constant 14 : i32
      %get3A_838 = arith.index_cast %get3A_837 : i32 to index
      %get3A_839 = arith.constant 48 : index
      %get3A_840 = tpu.vector_load %arg10[%get3A_838, %get3A_839] {strides = array<i32>} : memref<16x128xf32, #tpu.memory_space<vmem>>, vector<16xf32>,
      %mul3A_841 = arith.mulf %gather3A_818, %get3A_840 : vector<16xf32>
      %add3A_842 = arith.addf %add3A_790, %mul3A_841 : vector<16xf32>
      %get3A_843 = arith.constant 14 : i32
      %get3A_844 = arith.index_cast %get3A_843 : i32 to index
      %get3A_845 = arith.constant 64 : index
      %get3A_846 = tpu.vector_load %arg10[%get3A_844, %get3A_845] {strides = array<i32>} : memref<16x128xf32, #tpu.memory_space<vmem>>, vector<16xf32>,
      %mul3A_847 = arith.mulf %gather3A_818, %get3A_846 : vector<16xf32>
      %add3A_848 = arith.addf %add3A_796, %mul3A_847 : vector<16xf32>
      %get3A_849 = arith.constant 14 : i32
      %get3A_850 = arith.index_cast %get3A_849 : i32 to index
      %get3A_851 = arith.constant 80 : index
      %get3A_852 = tpu.vector_load %arg10[%get3A_850, %get3A_851] {strides = array<i32>} : memref<16x128xf32, #tpu.memory_space<vmem>>, vector<16xf32>,
      %mul3A_853 = arith.mulf %gather3A_818, %get3A_852 : vector<16xf32>
      %add3A_854 = arith.addf %add3A_802, %mul3A_853 : vector<16xf32>
      %get3A_855 = arith.constant 14 : i32
      %get3A_856 = arith.index_cast %get3A_855 : i32 to index
      %get3A_857 = arith.constant 96 : index
      %get3A_858 = tpu.vector_load %arg10[%get3A_856, %get3A_857] {strides = array<i32>} : memref<16x128xf32, #tpu.memory_space<vmem>>, vector<16xf32>,
      %mul3A_859 = arith.mulf %gather3A_818, %get3A_858 : vector<16xf32>
      %add3A_860 = arith.addf %add3A_808, %mul3A_859 : vector<16xf32>
      %get3A_861 = arith.constant 14 : i32
      %get3A_862 = arith.index_cast %get3A_861 : i32 to index
      %get3A_863 = arith.constant 112 : index
      %get3A_864 = tpu.vector_load %arg10[%get3A_862, %get3A_863] {strides = array<i32>} : memref<16x128xf32, #tpu.memory_space<vmem>>, vector<16xf32>,
      %mul3A_865 = arith.mulf %gather3A_818, %get3A_864 : vector<16xf32>
      %add3A_866 = arith.addf %add3A_814, %mul3A_865 : vector<16xf32>
      %broadcast_in_dim3A_867 = arith.constant 15 : i32
      %broadcast_in_dim3A_868 = vector.broadcast %broadcast_in_dim3A_867 : i32 to vector<16x1xi32>
      %gather3A_869 = vector.shape_cast %broadcast_in_dim3A_868 : vector<16x1xi32> to vector<16xi32>
      %gather3A_870 = tpu.dynamic_gather %gather3A_71[%gather3A_869] in [0] : vector<16xf32>, vector<16xi32> -> vector<16xf32>
      %get3A_871 = arith.constant 15 : i32
      %get3A_872 = arith.index_cast %get3A_871 : i32 to index
      %get3A_873 = arith.constant 0 : index
      %get3A_874 = tpu.vector_load %arg10[%get3A_872, %get3A_873] {strides = array<i32>} : memref<16x128xf32, #tpu.memory_space<vmem>>, vector<16xf32>,
      %mul3A_875 = arith.mulf %gather3A_870, %get3A_874 : vector<16xf32>
      %add3A_876 = arith.addf %add3A_824, %mul3A_875 : vector<16xf32>
      %get3A_877 = arith.constant 15 : i32
      %get3A_878 = arith.index_cast %get3A_877 : i32 to index
      %get3A_879 = arith.constant 16 : index
      %get3A_880 = tpu.vector_load %arg10[%get3A_878, %get3A_879] {strides = array<i32>} : memref<16x128xf32, #tpu.memory_space<vmem>>, vector<16xf32>,
      %mul3A_881 = arith.mulf %gather3A_870, %get3A_880 : vector<16xf32>
      %add3A_882 = arith.addf %add3A_830, %mul3A_881 : vector<16xf32>
      %get3A_883 = arith.constant 15 : i32
      %get3A_884 = arith.index_cast %get3A_883 : i32 to index
      %get3A_885 = arith.constant 32 : index
      %get3A_886 = tpu.vector_load %arg10[%get3A_884, %get3A_885] {strides = array<i32>} : memref<16x128xf32, #tpu.memory_space<vmem>>, vector<16xf32>,
      %mul3A_887 = arith.mulf %gather3A_870, %get3A_886 : vector<16xf32>
      %add3A_888 = arith.addf %add3A_836, %mul3A_887 : vector<16xf32>
      %get3A_889 = arith.constant 15 : i32
      %get3A_890 = arith.index_cast %get3A_889 : i32 to index
      %get3A_891 = arith.constant 48 : index
      %get3A_892 = tpu.vector_load %arg10[%get3A_890, %get3A_891] {strides = array<i32>} : memref<16x128xf32, #tpu.memory_space<vmem>>, vector<16xf32>,
      %mul3A_893 = arith.mulf %gather3A_870, %get3A_892 : vector<16xf32>
      %add3A_894 = arith.addf %add3A_842, %mul3A_893 : vector<16xf32>
      %get3A_895 = arith.constant 15 : i32
      %get3A_896 = arith.index_cast %get3A_895 : i32 to index
      %get3A_897 = arith.constant 64 : index
      %get3A_898 = tpu.vector_load %arg10[%get3A_896, %get3A_897] {strides = array<i32>} : memref<16x128xf32, #tpu.memory_space<vmem>>, vector<16xf32>,
      %mul3A_899 = arith.mulf %gather3A_870, %get3A_898 : vector<16xf32>
      %add3A_900 = arith.addf %add3A_848, %mul3A_899 : vector<16xf32>
      %get3A_901 = arith.constant 15 : i32
      %get3A_902 = arith.index_cast %get3A_901 : i32 to index
      %get3A_903 = arith.constant 80 : index
      %get3A_904 = tpu.vector_load %arg10[%get3A_902, %get3A_903] {strides = array<i32>} : memref<16x128xf32, #tpu.memory_space<vmem>>, vector<16xf32>,
      %mul3A_905 = arith.mulf %gather3A_870, %get3A_904 : vector<16xf32>
      %add3A_906 = arith.addf %add3A_854, %mul3A_905 : vector<16xf32>
      %get3A_907 = arith.constant 15 : i32
      %get3A_908 = arith.index_cast %get3A_907 : i32 to index
      %get3A_909 = arith.constant 96 : index
      %get3A_910 = tpu.vector_load %arg10[%get3A_908, %get3A_909] {strides = array<i32>} : memref<16x128xf32, #tpu.memory_space<vmem>>, vector<16xf32>,
      %mul3A_911 = arith.mulf %gather3A_870, %get3A_910 : vector<16xf32>
      %add3A_912 = arith.addf %add3A_860, %mul3A_911 : vector<16xf32>
      %get3A_913 = arith.constant 15 : i32
      %get3A_914 = arith.index_cast %get3A_913 : i32 to index
      %get3A_915 = arith.constant 112 : index
      %get3A_916 = tpu.vector_load %arg10[%get3A_914, %get3A_915] {strides = array<i32>} : memref<16x128xf32, #tpu.memory_space<vmem>>, vector<16xf32>,
      %mul3A_917 = arith.mulf %gather3A_870, %get3A_916 : vector<16xf32>
      %add3A_918 = arith.addf %add3A_866, %mul3A_917 : vector<16xf32>
      %swap3A = arith.constant 0 : index
      %swap3A_919 = tpu.vector_load %arg12[%swap3A] {strides = array<i32>} : memref<128xf32, #tpu.memory_space<vmem>>, vector<16xf32>,
      tpu.vector_store %arg12[%swap3A], %add3A_876 {strides = array<i32>} : memref<128xf32, #tpu.memory_space<vmem>>, vector<16xf32>,
      %swap3A_920 = arith.constant 16 : index
      %swap3A_921 = tpu.vector_load %arg12[%swap3A_920] {strides = array<i32>} : memref<128xf32, #tpu.memory_space<vmem>>, vector<16xf32>,
      tpu.vector_store %arg12[%swap3A_920], %add3A_882 {strides = array<i32>} : memref<128xf32, #tpu.memory_space<vmem>>, vector<16xf32>,
      %swap3A_922 = arith.constant 32 : index
      %swap3A_923 = tpu.vector_load %arg12[%swap3A_922] {strides = array<i32>} : memref<128xf32, #tpu.memory_space<vmem>>, vector<16xf32>,
      tpu.vector_store %arg12[%swap3A_922], %add3A_888 {strides = array<i32>} : memref<128xf32, #tpu.memory_space<vmem>>, vector<16xf32>,
      %swap3A_924 = arith.constant 48 : index
      %swap3A_925 = tpu.vector_load %arg12[%swap3A_924] {strides = array<i32>} : memref<128xf32, #tpu.memory_space<vmem>>, vector<16xf32>,
      tpu.vector_store %arg12[%swap3A_924], %add3A_894 {strides = array<i32>} : memref<128xf32, #tpu.memory_space<vmem>>, vector<16xf32>,
      %swap3A_926 = arith.constant 64 : index
      %swap3A_927 = tpu.vector_load %arg12[%swap3A_926] {strides = array<i32>} : memref<128xf32, #tpu.memory_space<vmem>>, vector<16xf32>,
      tpu.vector_store %arg12[%swap3A_926], %add3A_900 {strides = array<i32>} : memref<128xf32, #tpu.memory_space<vmem>>, vector<16xf32>,
      %swap3A_928 = arith.constant 80 : index
      %swap3A_929 = tpu.vector_load %arg12[%swap3A_928] {strides = array<i32>} : memref<128xf32, #tpu.memory_space<vmem>>, vector<16xf32>,
      tpu.vector_store %arg12[%swap3A_928], %add3A_906 {strides = array<i32>} : memref<128xf32, #tpu.memory_space<vmem>>, vector<16xf32>,
      %swap3A_930 = arith.constant 96 : index
      %swap3A_931 = tpu.vector_load %arg12[%swap3A_930] {strides = array<i32>} : memref<128xf32, #tpu.memory_space<vmem>>, vector<16xf32>,
      tpu.vector_store %arg12[%swap3A_930], %add3A_912 {strides = array<i32>} : memref<128xf32, #tpu.memory_space<vmem>>, vector<16xf32>,
      %swap3A_932 = arith.constant 112 : index
      %swap3A_933 = tpu.vector_load %arg12[%swap3A_932] {strides = array<i32>} : memref<128xf32, #tpu.memory_space<vmem>>, vector<16xf32>,
      tpu.vector_store %arg12[%swap3A_932], %add3A_918 {strides = array<i32>} : memref<128xf32, #tpu.memory_space<vmem>>, vector<16xf32>,
      %mul3A_934 = arith.constant 128 : i32
      %mul3A_935 = arith.muli %mul3A_934, %arg1 : i32
      %multiple_of3A_936 = tpu.assume_multiple %mul3A_935, 128 : i32
      "tpu.region"() ({
        %run_scoped3A = tpu.sem_alloc : memref<!tpu.dma_semaphore, #tpu.memory_space<semaphore_mem>>
        %dma_start3A_937 = tpu.memref_slice %arg15[%multiple_of3A_936] : memref<1536xf32, #tpu.memory_space<vmem_shared>> -> memref<128xf32, #tpu.memory_space<vmem_shared>>
        %dma_start3A_938 = tpu.memref_slice %arg15[%multiple_of3A_936] : memref<1536xf32, #tpu.memory_space<vmem_shared>> -> memref<128xf32, #tpu.memory_space<vmem_shared>>
        tpu.enqueue_dma source(%arg12 : memref<128xf32, #tpu.memory_space<vmem>>) target(%dma_start3A_938 : memref<128xf32, #tpu.memory_space<vmem_shared>>) target_semaphore(%run_scoped3A : memref<!tpu.dma_semaphore, #tpu.memory_space<semaphore_mem>>)
        %dma_wait3A_939 = tpu.memref_slice %arg15[%multiple_of3A_936] : memref<1536xf32, #tpu.memory_space<vmem_shared>> -> memref<128xf32, #tpu.memory_space<vmem_shared>>
        %dma_wait3A_940 = tpu.memref_slice %arg15[%multiple_of3A_936] : memref<1536xf32, #tpu.memory_space<vmem_shared>> -> memref<128xf32, #tpu.memory_space<vmem_shared>>
        tpu.wait_dma2 semaphore(%run_scoped3A : memref<!tpu.dma_semaphore, #tpu.memory_space<semaphore_mem>>) src(%arg12 : memref<128xf32, #tpu.memory_space<vmem>>) dst(%dma_wait3A_940 : memref<128xf32, #tpu.memory_space<vmem_shared>>)
        tpu.yield
      }) : () -> ()
    } else {
    }
    %eq3A = arith.constant 0 : i32
    %eq3A_2 = arith.cmpi eq, %arg1, %eq3A : i32
    %convert_element_type3A_3 = arith.extui %eq3A_2 : i1 to i32
    %cond3A_4 = arith.constant 0 : i32
    %cond3A_5 = arith.cmpi ne, %convert_element_type3A_3, %cond3A_4 : i32
    scf.if %cond3A_5 {
      %dma_start3A = arith.constant 192 : i32
      %dma_start3A_11 = arith.constant 0 : i32
      %dma_start3A_12 = tpu.memref_slice %arg6[%dma_start3A, %dma_start3A_11] : memref<200x128xf32, #tpu.memory_space<hbm>> -> memref<8x128xf32, #tpu.memory_space<hbm>>
      %dma_start3A_13 = arith.constant 192 : i32
      %dma_start3A_14 = arith.constant 0 : i32
      %dma_start3A_15 = tpu.memref_slice %arg6[%dma_start3A_13, %dma_start3A_14] : memref<200x128xf32, #tpu.memory_space<hbm>> -> memref<8x128xf32, #tpu.memory_space<hbm>>
      tpu.enqueue_dma source(%dma_start3A_15 : memref<8x128xf32, #tpu.memory_space<hbm>>) target(%arg11 : memref<8x128xf32, #tpu.memory_space<vmem>>) target_semaphore(%arg18 : memref<!tpu.dma_semaphore, #tpu.memory_space<semaphore_mem>>)
    } else {
    }
    %barrier3A = arith.constant 0 : index
    tpu.barrier barrier_id(%barrier3A)
    %eq3A_6 = arith.constant 0 : i32
    %eq3A_7 = arith.cmpi eq, %arg1, %eq3A_6 : i32
    %convert_element_type3A_8 = arith.extui %eq3A_7 : i1 to i32
    %cond3A_9 = arith.constant 0 : i32
    %cond3A_10 = arith.cmpi ne, %convert_element_type3A_8, %cond3A_9 : i32
    scf.if %cond3A_10 {
      tpu.enqueue_dma source(%arg15 : memref<1536xf32, #tpu.memory_space<vmem_shared>>) target(%arg13 : memref<1536xf32, #tpu.memory_space<vmem>>) target_semaphore(%arg17 : memref<!tpu.dma_semaphore, #tpu.memory_space<semaphore_mem>>)
      %dma_wait3A = arith.constant 192 : i32
      %dma_wait3A_11 = arith.constant 0 : i32
      %dma_wait3A_12 = tpu.memref_slice %arg6[%dma_wait3A, %dma_wait3A_11] : memref<200x128xf32, #tpu.memory_space<hbm>> -> memref<8x128xf32, #tpu.memory_space<hbm>>
      %dma_wait3A_13 = arith.constant 192 : i32
      %dma_wait3A_14 = arith.constant 0 : i32
      %dma_wait3A_15 = tpu.memref_slice %arg6[%dma_wait3A_13, %dma_wait3A_14] : memref<200x128xf32, #tpu.memory_space<hbm>> -> memref<8x128xf32, #tpu.memory_space<hbm>>
      tpu.wait_dma2 semaphore(%arg18 : memref<!tpu.dma_semaphore, #tpu.memory_space<semaphore_mem>>) src(%dma_wait3A_15 : memref<8x128xf32, #tpu.memory_space<hbm>>) dst(%arg11 : memref<8x128xf32, #tpu.memory_space<vmem>>)
      tpu.wait_dma2 semaphore(%arg17 : memref<!tpu.dma_semaphore, #tpu.memory_space<semaphore_mem>>) src(%arg15 : memref<1536xf32, #tpu.memory_space<vmem_shared>>) dst(%arg13 : memref<1536xf32, #tpu.memory_space<vmem>>)
      %broadcast_in_dim3A = arith.constant 0.000000e+00 : f32
      %broadcast_in_dim3A_16 = vector.broadcast %broadcast_in_dim3A : f32 to vector<16xf32>
      %get3A = arith.constant 0 : i32
      %get3A_17 = arith.index_cast %get3A : i32 to index
      %get3A_18 = arith.constant 0 : index
      %get3A_19 = tpu.vector_load %arg11[%get3A_17, %get3A_18] {strides = array<i32>} : memref<8x128xf32, #tpu.memory_space<vmem>>, vector<16xf32>,
      %get3A_20 = arith.constant 0 : index
      %get3A_21 = tpu.vector_load %arg13[%get3A_20] {strides = array<i32>} : memref<1536xf32, #tpu.memory_space<vmem>>, vector<16xf32>,
      %add3A = arith.addf %get3A_19, %get3A_21 : vector<16xf32>
      %get3A_22 = arith.constant 128 : index
      %get3A_23 = tpu.vector_load %arg13[%get3A_22] {strides = array<i32>} : memref<1536xf32, #tpu.memory_space<vmem>>, vector<16xf32>,
      %add3A_24 = arith.addf %add3A, %get3A_23 : vector<16xf32>
      %get3A_25 = arith.constant 256 : index
      %get3A_26 = tpu.vector_load %arg13[%get3A_25] {strides = array<i32>} : memref<1536xf32, #tpu.memory_space<vmem>>, vector<16xf32>,
      %add3A_27 = arith.addf %add3A_24, %get3A_26 : vector<16xf32>
      %get3A_28 = arith.constant 384 : index
      %get3A_29 = tpu.vector_load %arg13[%get3A_28] {strides = array<i32>} : memref<1536xf32, #tpu.memory_space<vmem>>, vector<16xf32>,
      %add3A_30 = arith.addf %add3A_27, %get3A_29 : vector<16xf32>
      %get3A_31 = arith.constant 512 : index
      %get3A_32 = tpu.vector_load %arg13[%get3A_31] {strides = array<i32>} : memref<1536xf32, #tpu.memory_space<vmem>>, vector<16xf32>,
      %add3A_33 = arith.addf %add3A_30, %get3A_32 : vector<16xf32>
      %get3A_34 = arith.constant 640 : index
      %get3A_35 = tpu.vector_load %arg13[%get3A_34] {strides = array<i32>} : memref<1536xf32, #tpu.memory_space<vmem>>, vector<16xf32>,
      %add3A_36 = arith.addf %add3A_33, %get3A_35 : vector<16xf32>
      %get3A_37 = arith.constant 768 : index
      %get3A_38 = tpu.vector_load %arg13[%get3A_37] {strides = array<i32>} : memref<1536xf32, #tpu.memory_space<vmem>>, vector<16xf32>,
      %add3A_39 = arith.addf %add3A_36, %get3A_38 : vector<16xf32>
      %get3A_40 = arith.constant 896 : index
      %get3A_41 = tpu.vector_load %arg13[%get3A_40] {strides = array<i32>} : memref<1536xf32, #tpu.memory_space<vmem>>, vector<16xf32>,
      %add3A_42 = arith.addf %add3A_39, %get3A_41 : vector<16xf32>
      %get3A_43 = arith.constant 1024 : index
      %get3A_44 = tpu.vector_load %arg13[%get3A_43] {strides = array<i32>} : memref<1536xf32, #tpu.memory_space<vmem>>, vector<16xf32>,
      %add3A_45 = arith.addf %add3A_42, %get3A_44 : vector<16xf32>
      %get3A_46 = arith.constant 1152 : index
      %get3A_47 = tpu.vector_load %arg13[%get3A_46] {strides = array<i32>} : memref<1536xf32, #tpu.memory_space<vmem>>, vector<16xf32>,
      %add3A_48 = arith.addf %add3A_45, %get3A_47 : vector<16xf32>
      %get3A_49 = arith.constant 1280 : index
      %get3A_50 = tpu.vector_load %arg13[%get3A_49] {strides = array<i32>} : memref<1536xf32, #tpu.memory_space<vmem>>, vector<16xf32>,
      %add3A_51 = arith.addf %add3A_48, %get3A_50 : vector<16xf32>
      %get3A_52 = arith.constant 1408 : index
      %get3A_53 = tpu.vector_load %arg13[%get3A_52] {strides = array<i32>} : memref<1536xf32, #tpu.memory_space<vmem>>, vector<16xf32>,
      %add3A_54 = arith.addf %add3A_51, %get3A_53 : vector<16xf32>
      %max3A = arith.constant 0.000000e+00 : f32
      %max3A_55 = vector.broadcast %max3A : f32 to vector<16xf32>
      %max3A_56 = arith.maximumf %add3A_54, %max3A_55 : vector<16xf32>
      %get3A_57 = arith.constant 1 : i32
      %get3A_58 = arith.index_cast %get3A_57 : i32 to index
      %get3A_59 = arith.constant 0 : index
      %get3A_60 = tpu.vector_load %arg11[%get3A_58, %get3A_59] {strides = array<i32>} : memref<8x128xf32, #tpu.memory_space<vmem>>, vector<16xf32>,
      %mul3A = arith.mulf %max3A_56, %get3A_60 : vector<16xf32>
      %add3A_61 = arith.addf %broadcast_in_dim3A_16, %mul3A : vector<16xf32>
      %get3A_62 = arith.constant 0 : i32
      %get3A_63 = arith.index_cast %get3A_62 : i32 to index
      %get3A_64 = arith.constant 16 : index
      %get3A_65 = tpu.vector_load %arg11[%get3A_63, %get3A_64] {strides = array<i32>} : memref<8x128xf32, #tpu.memory_space<vmem>>, vector<16xf32>,
      %get3A_66 = arith.constant 16 : index
      %get3A_67 = tpu.vector_load %arg13[%get3A_66] {strides = array<i32>} : memref<1536xf32, #tpu.memory_space<vmem>>, vector<16xf32>,
      %add3A_68 = arith.addf %get3A_65, %get3A_67 : vector<16xf32>
      %get3A_69 = arith.constant 144 : index
      %get3A_70 = tpu.vector_load %arg13[%get3A_69] {strides = array<i32>} : memref<1536xf32, #tpu.memory_space<vmem>>, vector<16xf32>,
      %add3A_71 = arith.addf %add3A_68, %get3A_70 : vector<16xf32>
      %get3A_72 = arith.constant 272 : index
      %get3A_73 = tpu.vector_load %arg13[%get3A_72] {strides = array<i32>} : memref<1536xf32, #tpu.memory_space<vmem>>, vector<16xf32>,
      %add3A_74 = arith.addf %add3A_71, %get3A_73 : vector<16xf32>
      %get3A_75 = arith.constant 400 : index
      %get3A_76 = tpu.vector_load %arg13[%get3A_75] {strides = array<i32>} : memref<1536xf32, #tpu.memory_space<vmem>>, vector<16xf32>,
      %add3A_77 = arith.addf %add3A_74, %get3A_76 : vector<16xf32>
      %get3A_78 = arith.constant 528 : index
      %get3A_79 = tpu.vector_load %arg13[%get3A_78] {strides = array<i32>} : memref<1536xf32, #tpu.memory_space<vmem>>, vector<16xf32>,
      %add3A_80 = arith.addf %add3A_77, %get3A_79 : vector<16xf32>
      %get3A_81 = arith.constant 656 : index
      %get3A_82 = tpu.vector_load %arg13[%get3A_81] {strides = array<i32>} : memref<1536xf32, #tpu.memory_space<vmem>>, vector<16xf32>,
      %add3A_83 = arith.addf %add3A_80, %get3A_82 : vector<16xf32>
      %get3A_84 = arith.constant 784 : index
      %get3A_85 = tpu.vector_load %arg13[%get3A_84] {strides = array<i32>} : memref<1536xf32, #tpu.memory_space<vmem>>, vector<16xf32>,
      %add3A_86 = arith.addf %add3A_83, %get3A_85 : vector<16xf32>
      %get3A_87 = arith.constant 912 : index
      %get3A_88 = tpu.vector_load %arg13[%get3A_87] {strides = array<i32>} : memref<1536xf32, #tpu.memory_space<vmem>>, vector<16xf32>,
      %add3A_89 = arith.addf %add3A_86, %get3A_88 : vector<16xf32>
      %get3A_90 = arith.constant 1040 : index
      %get3A_91 = tpu.vector_load %arg13[%get3A_90] {strides = array<i32>} : memref<1536xf32, #tpu.memory_space<vmem>>, vector<16xf32>,
      %add3A_92 = arith.addf %add3A_89, %get3A_91 : vector<16xf32>
      %get3A_93 = arith.constant 1168 : index
      %get3A_94 = tpu.vector_load %arg13[%get3A_93] {strides = array<i32>} : memref<1536xf32, #tpu.memory_space<vmem>>, vector<16xf32>,
      %add3A_95 = arith.addf %add3A_92, %get3A_94 : vector<16xf32>
      %get3A_96 = arith.constant 1296 : index
      %get3A_97 = tpu.vector_load %arg13[%get3A_96] {strides = array<i32>} : memref<1536xf32, #tpu.memory_space<vmem>>, vector<16xf32>,
      %add3A_98 = arith.addf %add3A_95, %get3A_97 : vector<16xf32>
      %get3A_99 = arith.constant 1424 : index
      %get3A_100 = tpu.vector_load %arg13[%get3A_99] {strides = array<i32>} : memref<1536xf32, #tpu.memory_space<vmem>>, vector<16xf32>,
      %add3A_101 = arith.addf %add3A_98, %get3A_100 : vector<16xf32>
      %max3A_102 = arith.constant 0.000000e+00 : f32
      %max3A_103 = vector.broadcast %max3A_102 : f32 to vector<16xf32>
      %max3A_104 = arith.maximumf %add3A_101, %max3A_103 : vector<16xf32>
      %get3A_105 = arith.constant 1 : i32
      %get3A_106 = arith.index_cast %get3A_105 : i32 to index
      %get3A_107 = arith.constant 16 : index
      %get3A_108 = tpu.vector_load %arg11[%get3A_106, %get3A_107] {strides = array<i32>} : memref<8x128xf32, #tpu.memory_space<vmem>>, vector<16xf32>,
      %mul3A_109 = arith.mulf %max3A_104, %get3A_108 : vector<16xf32>
      %add3A_110 = arith.addf %add3A_61, %mul3A_109 : vector<16xf32>
      %get3A_111 = arith.constant 0 : i32
      %get3A_112 = arith.index_cast %get3A_111 : i32 to index
      %get3A_113 = arith.constant 32 : index
      %get3A_114 = tpu.vector_load %arg11[%get3A_112, %get3A_113] {strides = array<i32>} : memref<8x128xf32, #tpu.memory_space<vmem>>, vector<16xf32>,
      %get3A_115 = arith.constant 32 : index
      %get3A_116 = tpu.vector_load %arg13[%get3A_115] {strides = array<i32>} : memref<1536xf32, #tpu.memory_space<vmem>>, vector<16xf32>,
      %add3A_117 = arith.addf %get3A_114, %get3A_116 : vector<16xf32>
      %get3A_118 = arith.constant 160 : index
      %get3A_119 = tpu.vector_load %arg13[%get3A_118] {strides = array<i32>} : memref<1536xf32, #tpu.memory_space<vmem>>, vector<16xf32>,
      %add3A_120 = arith.addf %add3A_117, %get3A_119 : vector<16xf32>
      %get3A_121 = arith.constant 288 : index
      %get3A_122 = tpu.vector_load %arg13[%get3A_121] {strides = array<i32>} : memref<1536xf32, #tpu.memory_space<vmem>>, vector<16xf32>,
      %add3A_123 = arith.addf %add3A_120, %get3A_122 : vector<16xf32>
      %get3A_124 = arith.constant 416 : index
      %get3A_125 = tpu.vector_load %arg13[%get3A_124] {strides = array<i32>} : memref<1536xf32, #tpu.memory_space<vmem>>, vector<16xf32>,
      %add3A_126 = arith.addf %add3A_123, %get3A_125 : vector<16xf32>
      %get3A_127 = arith.constant 544 : index
      %get3A_128 = tpu.vector_load %arg13[%get3A_127] {strides = array<i32>} : memref<1536xf32, #tpu.memory_space<vmem>>, vector<16xf32>,
      %add3A_129 = arith.addf %add3A_126, %get3A_128 : vector<16xf32>
      %get3A_130 = arith.constant 672 : index
      %get3A_131 = tpu.vector_load %arg13[%get3A_130] {strides = array<i32>} : memref<1536xf32, #tpu.memory_space<vmem>>, vector<16xf32>,
      %add3A_132 = arith.addf %add3A_129, %get3A_131 : vector<16xf32>
      %get3A_133 = arith.constant 800 : index
      %get3A_134 = tpu.vector_load %arg13[%get3A_133] {strides = array<i32>} : memref<1536xf32, #tpu.memory_space<vmem>>, vector<16xf32>,
      %add3A_135 = arith.addf %add3A_132, %get3A_134 : vector<16xf32>
      %get3A_136 = arith.constant 928 : index
      %get3A_137 = tpu.vector_load %arg13[%get3A_136] {strides = array<i32>} : memref<1536xf32, #tpu.memory_space<vmem>>, vector<16xf32>,
      %add3A_138 = arith.addf %add3A_135, %get3A_137 : vector<16xf32>
      %get3A_139 = arith.constant 1056 : index
      %get3A_140 = tpu.vector_load %arg13[%get3A_139] {strides = array<i32>} : memref<1536xf32, #tpu.memory_space<vmem>>, vector<16xf32>,
      %add3A_141 = arith.addf %add3A_138, %get3A_140 : vector<16xf32>
      %get3A_142 = arith.constant 1184 : index
      %get3A_143 = tpu.vector_load %arg13[%get3A_142] {strides = array<i32>} : memref<1536xf32, #tpu.memory_space<vmem>>, vector<16xf32>,
      %add3A_144 = arith.addf %add3A_141, %get3A_143 : vector<16xf32>
      %get3A_145 = arith.constant 1312 : index
      %get3A_146 = tpu.vector_load %arg13[%get3A_145] {strides = array<i32>} : memref<1536xf32, #tpu.memory_space<vmem>>, vector<16xf32>,
      %add3A_147 = arith.addf %add3A_144, %get3A_146 : vector<16xf32>
      %get3A_148 = arith.constant 1440 : index
      %get3A_149 = tpu.vector_load %arg13[%get3A_148] {strides = array<i32>} : memref<1536xf32, #tpu.memory_space<vmem>>, vector<16xf32>,
      %add3A_150 = arith.addf %add3A_147, %get3A_149 : vector<16xf32>
      %max3A_151 = arith.constant 0.000000e+00 : f32
      %max3A_152 = vector.broadcast %max3A_151 : f32 to vector<16xf32>
      %max3A_153 = arith.maximumf %add3A_150, %max3A_152 : vector<16xf32>
      %get3A_154 = arith.constant 1 : i32
      %get3A_155 = arith.index_cast %get3A_154 : i32 to index
      %get3A_156 = arith.constant 32 : index
      %get3A_157 = tpu.vector_load %arg11[%get3A_155, %get3A_156] {strides = array<i32>} : memref<8x128xf32, #tpu.memory_space<vmem>>, vector<16xf32>,
      %mul3A_158 = arith.mulf %max3A_153, %get3A_157 : vector<16xf32>
      %add3A_159 = arith.addf %add3A_110, %mul3A_158 : vector<16xf32>
      %get3A_160 = arith.constant 0 : i32
      %get3A_161 = arith.index_cast %get3A_160 : i32 to index
      %get3A_162 = arith.constant 48 : index
      %get3A_163 = tpu.vector_load %arg11[%get3A_161, %get3A_162] {strides = array<i32>} : memref<8x128xf32, #tpu.memory_space<vmem>>, vector<16xf32>,
      %get3A_164 = arith.constant 48 : index
      %get3A_165 = tpu.vector_load %arg13[%get3A_164] {strides = array<i32>} : memref<1536xf32, #tpu.memory_space<vmem>>, vector<16xf32>,
      %add3A_166 = arith.addf %get3A_163, %get3A_165 : vector<16xf32>
      %get3A_167 = arith.constant 176 : index
      %get3A_168 = tpu.vector_load %arg13[%get3A_167] {strides = array<i32>} : memref<1536xf32, #tpu.memory_space<vmem>>, vector<16xf32>,
      %add3A_169 = arith.addf %add3A_166, %get3A_168 : vector<16xf32>
      %get3A_170 = arith.constant 304 : index
      %get3A_171 = tpu.vector_load %arg13[%get3A_170] {strides = array<i32>} : memref<1536xf32, #tpu.memory_space<vmem>>, vector<16xf32>,
      %add3A_172 = arith.addf %add3A_169, %get3A_171 : vector<16xf32>
      %get3A_173 = arith.constant 432 : index
      %get3A_174 = tpu.vector_load %arg13[%get3A_173] {strides = array<i32>} : memref<1536xf32, #tpu.memory_space<vmem>>, vector<16xf32>,
      %add3A_175 = arith.addf %add3A_172, %get3A_174 : vector<16xf32>
      %get3A_176 = arith.constant 560 : index
      %get3A_177 = tpu.vector_load %arg13[%get3A_176] {strides = array<i32>} : memref<1536xf32, #tpu.memory_space<vmem>>, vector<16xf32>,
      %add3A_178 = arith.addf %add3A_175, %get3A_177 : vector<16xf32>
      %get3A_179 = arith.constant 688 : index
      %get3A_180 = tpu.vector_load %arg13[%get3A_179] {strides = array<i32>} : memref<1536xf32, #tpu.memory_space<vmem>>, vector<16xf32>,
      %add3A_181 = arith.addf %add3A_178, %get3A_180 : vector<16xf32>
      %get3A_182 = arith.constant 816 : index
      %get3A_183 = tpu.vector_load %arg13[%get3A_182] {strides = array<i32>} : memref<1536xf32, #tpu.memory_space<vmem>>, vector<16xf32>,
      %add3A_184 = arith.addf %add3A_181, %get3A_183 : vector<16xf32>
      %get3A_185 = arith.constant 944 : index
      %get3A_186 = tpu.vector_load %arg13[%get3A_185] {strides = array<i32>} : memref<1536xf32, #tpu.memory_space<vmem>>, vector<16xf32>,
      %add3A_187 = arith.addf %add3A_184, %get3A_186 : vector<16xf32>
      %get3A_188 = arith.constant 1072 : index
      %get3A_189 = tpu.vector_load %arg13[%get3A_188] {strides = array<i32>} : memref<1536xf32, #tpu.memory_space<vmem>>, vector<16xf32>,
      %add3A_190 = arith.addf %add3A_187, %get3A_189 : vector<16xf32>
      %get3A_191 = arith.constant 1200 : index
      %get3A_192 = tpu.vector_load %arg13[%get3A_191] {strides = array<i32>} : memref<1536xf32, #tpu.memory_space<vmem>>, vector<16xf32>,
      %add3A_193 = arith.addf %add3A_190, %get3A_192 : vector<16xf32>
      %get3A_194 = arith.constant 1328 : index
      %get3A_195 = tpu.vector_load %arg13[%get3A_194] {strides = array<i32>} : memref<1536xf32, #tpu.memory_space<vmem>>, vector<16xf32>,
      %add3A_196 = arith.addf %add3A_193, %get3A_195 : vector<16xf32>
      %get3A_197 = arith.constant 1456 : index
      %get3A_198 = tpu.vector_load %arg13[%get3A_197] {strides = array<i32>} : memref<1536xf32, #tpu.memory_space<vmem>>, vector<16xf32>,
      %add3A_199 = arith.addf %add3A_196, %get3A_198 : vector<16xf32>
      %max3A_200 = arith.constant 0.000000e+00 : f32
      %max3A_201 = vector.broadcast %max3A_200 : f32 to vector<16xf32>
      %max3A_202 = arith.maximumf %add3A_199, %max3A_201 : vector<16xf32>
      %get3A_203 = arith.constant 1 : i32
      %get3A_204 = arith.index_cast %get3A_203 : i32 to index
      %get3A_205 = arith.constant 48 : index
      %get3A_206 = tpu.vector_load %arg11[%get3A_204, %get3A_205] {strides = array<i32>} : memref<8x128xf32, #tpu.memory_space<vmem>>, vector<16xf32>,
      %mul3A_207 = arith.mulf %max3A_202, %get3A_206 : vector<16xf32>
      %add3A_208 = arith.addf %add3A_159, %mul3A_207 : vector<16xf32>
      %get3A_209 = arith.constant 0 : i32
      %get3A_210 = arith.index_cast %get3A_209 : i32 to index
      %get3A_211 = arith.constant 64 : index
      %get3A_212 = tpu.vector_load %arg11[%get3A_210, %get3A_211] {strides = array<i32>} : memref<8x128xf32, #tpu.memory_space<vmem>>, vector<16xf32>,
      %get3A_213 = arith.constant 64 : index
      %get3A_214 = tpu.vector_load %arg13[%get3A_213] {strides = array<i32>} : memref<1536xf32, #tpu.memory_space<vmem>>, vector<16xf32>,
      %add3A_215 = arith.addf %get3A_212, %get3A_214 : vector<16xf32>
      %get3A_216 = arith.constant 192 : index
      %get3A_217 = tpu.vector_load %arg13[%get3A_216] {strides = array<i32>} : memref<1536xf32, #tpu.memory_space<vmem>>, vector<16xf32>,
      %add3A_218 = arith.addf %add3A_215, %get3A_217 : vector<16xf32>
      %get3A_219 = arith.constant 320 : index
      %get3A_220 = tpu.vector_load %arg13[%get3A_219] {strides = array<i32>} : memref<1536xf32, #tpu.memory_space<vmem>>, vector<16xf32>,
      %add3A_221 = arith.addf %add3A_218, %get3A_220 : vector<16xf32>
      %get3A_222 = arith.constant 448 : index
      %get3A_223 = tpu.vector_load %arg13[%get3A_222] {strides = array<i32>} : memref<1536xf32, #tpu.memory_space<vmem>>, vector<16xf32>,
      %add3A_224 = arith.addf %add3A_221, %get3A_223 : vector<16xf32>
      %get3A_225 = arith.constant 576 : index
      %get3A_226 = tpu.vector_load %arg13[%get3A_225] {strides = array<i32>} : memref<1536xf32, #tpu.memory_space<vmem>>, vector<16xf32>,
      %add3A_227 = arith.addf %add3A_224, %get3A_226 : vector<16xf32>
      %get3A_228 = arith.constant 704 : index
      %get3A_229 = tpu.vector_load %arg13[%get3A_228] {strides = array<i32>} : memref<1536xf32, #tpu.memory_space<vmem>>, vector<16xf32>,
      %add3A_230 = arith.addf %add3A_227, %get3A_229 : vector<16xf32>
      %get3A_231 = arith.constant 832 : index
      %get3A_232 = tpu.vector_load %arg13[%get3A_231] {strides = array<i32>} : memref<1536xf32, #tpu.memory_space<vmem>>, vector<16xf32>,
      %add3A_233 = arith.addf %add3A_230, %get3A_232 : vector<16xf32>
      %get3A_234 = arith.constant 960 : index
      %get3A_235 = tpu.vector_load %arg13[%get3A_234] {strides = array<i32>} : memref<1536xf32, #tpu.memory_space<vmem>>, vector<16xf32>,
      %add3A_236 = arith.addf %add3A_233, %get3A_235 : vector<16xf32>
      %get3A_237 = arith.constant 1088 : index
      %get3A_238 = tpu.vector_load %arg13[%get3A_237] {strides = array<i32>} : memref<1536xf32, #tpu.memory_space<vmem>>, vector<16xf32>,
      %add3A_239 = arith.addf %add3A_236, %get3A_238 : vector<16xf32>
      %get3A_240 = arith.constant 1216 : index
      %get3A_241 = tpu.vector_load %arg13[%get3A_240] {strides = array<i32>} : memref<1536xf32, #tpu.memory_space<vmem>>, vector<16xf32>,
      %add3A_242 = arith.addf %add3A_239, %get3A_241 : vector<16xf32>
      %get3A_243 = arith.constant 1344 : index
      %get3A_244 = tpu.vector_load %arg13[%get3A_243] {strides = array<i32>} : memref<1536xf32, #tpu.memory_space<vmem>>, vector<16xf32>,
      %add3A_245 = arith.addf %add3A_242, %get3A_244 : vector<16xf32>
      %get3A_246 = arith.constant 1472 : index
      %get3A_247 = tpu.vector_load %arg13[%get3A_246] {strides = array<i32>} : memref<1536xf32, #tpu.memory_space<vmem>>, vector<16xf32>,
      %add3A_248 = arith.addf %add3A_245, %get3A_247 : vector<16xf32>
      %max3A_249 = arith.constant 0.000000e+00 : f32
      %max3A_250 = vector.broadcast %max3A_249 : f32 to vector<16xf32>
      %max3A_251 = arith.maximumf %add3A_248, %max3A_250 : vector<16xf32>
      %get3A_252 = arith.constant 1 : i32
      %get3A_253 = arith.index_cast %get3A_252 : i32 to index
      %get3A_254 = arith.constant 64 : index
      %get3A_255 = tpu.vector_load %arg11[%get3A_253, %get3A_254] {strides = array<i32>} : memref<8x128xf32, #tpu.memory_space<vmem>>, vector<16xf32>,
      %mul3A_256 = arith.mulf %max3A_251, %get3A_255 : vector<16xf32>
      %add3A_257 = arith.addf %add3A_208, %mul3A_256 : vector<16xf32>
      %get3A_258 = arith.constant 0 : i32
      %get3A_259 = arith.index_cast %get3A_258 : i32 to index
      %get3A_260 = arith.constant 80 : index
      %get3A_261 = tpu.vector_load %arg11[%get3A_259, %get3A_260] {strides = array<i32>} : memref<8x128xf32, #tpu.memory_space<vmem>>, vector<16xf32>,
      %get3A_262 = arith.constant 80 : index
      %get3A_263 = tpu.vector_load %arg13[%get3A_262] {strides = array<i32>} : memref<1536xf32, #tpu.memory_space<vmem>>, vector<16xf32>,
      %add3A_264 = arith.addf %get3A_261, %get3A_263 : vector<16xf32>
      %get3A_265 = arith.constant 208 : index
      %get3A_266 = tpu.vector_load %arg13[%get3A_265] {strides = array<i32>} : memref<1536xf32, #tpu.memory_space<vmem>>, vector<16xf32>,
      %add3A_267 = arith.addf %add3A_264, %get3A_266 : vector<16xf32>
      %get3A_268 = arith.constant 336 : index
      %get3A_269 = tpu.vector_load %arg13[%get3A_268] {strides = array<i32>} : memref<1536xf32, #tpu.memory_space<vmem>>, vector<16xf32>,
      %add3A_270 = arith.addf %add3A_267, %get3A_269 : vector<16xf32>
      %get3A_271 = arith.constant 464 : index
      %get3A_272 = tpu.vector_load %arg13[%get3A_271] {strides = array<i32>} : memref<1536xf32, #tpu.memory_space<vmem>>, vector<16xf32>,
      %add3A_273 = arith.addf %add3A_270, %get3A_272 : vector<16xf32>
      %get3A_274 = arith.constant 592 : index
      %get3A_275 = tpu.vector_load %arg13[%get3A_274] {strides = array<i32>} : memref<1536xf32, #tpu.memory_space<vmem>>, vector<16xf32>,
      %add3A_276 = arith.addf %add3A_273, %get3A_275 : vector<16xf32>
      %get3A_277 = arith.constant 720 : index
      %get3A_278 = tpu.vector_load %arg13[%get3A_277] {strides = array<i32>} : memref<1536xf32, #tpu.memory_space<vmem>>, vector<16xf32>,
      %add3A_279 = arith.addf %add3A_276, %get3A_278 : vector<16xf32>
      %get3A_280 = arith.constant 848 : index
      %get3A_281 = tpu.vector_load %arg13[%get3A_280] {strides = array<i32>} : memref<1536xf32, #tpu.memory_space<vmem>>, vector<16xf32>,
      %add3A_282 = arith.addf %add3A_279, %get3A_281 : vector<16xf32>
      %get3A_283 = arith.constant 976 : index
      %get3A_284 = tpu.vector_load %arg13[%get3A_283] {strides = array<i32>} : memref<1536xf32, #tpu.memory_space<vmem>>, vector<16xf32>,
      %add3A_285 = arith.addf %add3A_282, %get3A_284 : vector<16xf32>
      %get3A_286 = arith.constant 1104 : index
      %get3A_287 = tpu.vector_load %arg13[%get3A_286] {strides = array<i32>} : memref<1536xf32, #tpu.memory_space<vmem>>, vector<16xf32>,
      %add3A_288 = arith.addf %add3A_285, %get3A_287 : vector<16xf32>
      %get3A_289 = arith.constant 1232 : index
      %get3A_290 = tpu.vector_load %arg13[%get3A_289] {strides = array<i32>} : memref<1536xf32, #tpu.memory_space<vmem>>, vector<16xf32>,
      %add3A_291 = arith.addf %add3A_288, %get3A_290 : vector<16xf32>
      %get3A_292 = arith.constant 1360 : index
      %get3A_293 = tpu.vector_load %arg13[%get3A_292] {strides = array<i32>} : memref<1536xf32, #tpu.memory_space<vmem>>, vector<16xf32>,
      %add3A_294 = arith.addf %add3A_291, %get3A_293 : vector<16xf32>
      %get3A_295 = arith.constant 1488 : index
      %get3A_296 = tpu.vector_load %arg13[%get3A_295] {strides = array<i32>} : memref<1536xf32, #tpu.memory_space<vmem>>, vector<16xf32>,
      %add3A_297 = arith.addf %add3A_294, %get3A_296 : vector<16xf32>
      %max3A_298 = arith.constant 0.000000e+00 : f32
      %max3A_299 = vector.broadcast %max3A_298 : f32 to vector<16xf32>
      %max3A_300 = arith.maximumf %add3A_297, %max3A_299 : vector<16xf32>
      %get3A_301 = arith.constant 1 : i32
      %get3A_302 = arith.index_cast %get3A_301 : i32 to index
      %get3A_303 = arith.constant 80 : index
      %get3A_304 = tpu.vector_load %arg11[%get3A_302, %get3A_303] {strides = array<i32>} : memref<8x128xf32, #tpu.memory_space<vmem>>, vector<16xf32>,
      %mul3A_305 = arith.mulf %max3A_300, %get3A_304 : vector<16xf32>
      %add3A_306 = arith.addf %add3A_257, %mul3A_305 : vector<16xf32>
      %get3A_307 = arith.constant 0 : i32
      %get3A_308 = arith.index_cast %get3A_307 : i32 to index
      %get3A_309 = arith.constant 96 : index
      %get3A_310 = tpu.vector_load %arg11[%get3A_308, %get3A_309] {strides = array<i32>} : memref<8x128xf32, #tpu.memory_space<vmem>>, vector<16xf32>,
      %get3A_311 = arith.constant 96 : index
      %get3A_312 = tpu.vector_load %arg13[%get3A_311] {strides = array<i32>} : memref<1536xf32, #tpu.memory_space<vmem>>, vector<16xf32>,
      %add3A_313 = arith.addf %get3A_310, %get3A_312 : vector<16xf32>
      %get3A_314 = arith.constant 224 : index
      %get3A_315 = tpu.vector_load %arg13[%get3A_314] {strides = array<i32>} : memref<1536xf32, #tpu.memory_space<vmem>>, vector<16xf32>,
      %add3A_316 = arith.addf %add3A_313, %get3A_315 : vector<16xf32>
      %get3A_317 = arith.constant 352 : index
      %get3A_318 = tpu.vector_load %arg13[%get3A_317] {strides = array<i32>} : memref<1536xf32, #tpu.memory_space<vmem>>, vector<16xf32>,
      %add3A_319 = arith.addf %add3A_316, %get3A_318 : vector<16xf32>
      %get3A_320 = arith.constant 480 : index
      %get3A_321 = tpu.vector_load %arg13[%get3A_320] {strides = array<i32>} : memref<1536xf32, #tpu.memory_space<vmem>>, vector<16xf32>,
      %add3A_322 = arith.addf %add3A_319, %get3A_321 : vector<16xf32>
      %get3A_323 = arith.constant 608 : index
      %get3A_324 = tpu.vector_load %arg13[%get3A_323] {strides = array<i32>} : memref<1536xf32, #tpu.memory_space<vmem>>, vector<16xf32>,
      %add3A_325 = arith.addf %add3A_322, %get3A_324 : vector<16xf32>
      %get3A_326 = arith.constant 736 : index
      %get3A_327 = tpu.vector_load %arg13[%get3A_326] {strides = array<i32>} : memref<1536xf32, #tpu.memory_space<vmem>>, vector<16xf32>,
      %add3A_328 = arith.addf %add3A_325, %get3A_327 : vector<16xf32>
      %get3A_329 = arith.constant 864 : index
      %get3A_330 = tpu.vector_load %arg13[%get3A_329] {strides = array<i32>} : memref<1536xf32, #tpu.memory_space<vmem>>, vector<16xf32>,
      %add3A_331 = arith.addf %add3A_328, %get3A_330 : vector<16xf32>
      %get3A_332 = arith.constant 992 : index
      %get3A_333 = tpu.vector_load %arg13[%get3A_332] {strides = array<i32>} : memref<1536xf32, #tpu.memory_space<vmem>>, vector<16xf32>,
      %add3A_334 = arith.addf %add3A_331, %get3A_333 : vector<16xf32>
      %get3A_335 = arith.constant 1120 : index
      %get3A_336 = tpu.vector_load %arg13[%get3A_335] {strides = array<i32>} : memref<1536xf32, #tpu.memory_space<vmem>>, vector<16xf32>,
      %add3A_337 = arith.addf %add3A_334, %get3A_336 : vector<16xf32>
      %get3A_338 = arith.constant 1248 : index
      %get3A_339 = tpu.vector_load %arg13[%get3A_338] {strides = array<i32>} : memref<1536xf32, #tpu.memory_space<vmem>>, vector<16xf32>,
      %add3A_340 = arith.addf %add3A_337, %get3A_339 : vector<16xf32>
      %get3A_341 = arith.constant 1376 : index
      %get3A_342 = tpu.vector_load %arg13[%get3A_341] {strides = array<i32>} : memref<1536xf32, #tpu.memory_space<vmem>>, vector<16xf32>,
      %add3A_343 = arith.addf %add3A_340, %get3A_342 : vector<16xf32>
      %get3A_344 = arith.constant 1504 : index
      %get3A_345 = tpu.vector_load %arg13[%get3A_344] {strides = array<i32>} : memref<1536xf32, #tpu.memory_space<vmem>>, vector<16xf32>,
      %add3A_346 = arith.addf %add3A_343, %get3A_345 : vector<16xf32>
      %max3A_347 = arith.constant 0.000000e+00 : f32
      %max3A_348 = vector.broadcast %max3A_347 : f32 to vector<16xf32>
      %max3A_349 = arith.maximumf %add3A_346, %max3A_348 : vector<16xf32>
      %get3A_350 = arith.constant 1 : i32
      %get3A_351 = arith.index_cast %get3A_350 : i32 to index
      %get3A_352 = arith.constant 96 : index
      %get3A_353 = tpu.vector_load %arg11[%get3A_351, %get3A_352] {strides = array<i32>} : memref<8x128xf32, #tpu.memory_space<vmem>>, vector<16xf32>,
      %mul3A_354 = arith.mulf %max3A_349, %get3A_353 : vector<16xf32>
      %add3A_355 = arith.addf %add3A_306, %mul3A_354 : vector<16xf32>
      %get3A_356 = arith.constant 0 : i32
      %get3A_357 = arith.index_cast %get3A_356 : i32 to index
      %get3A_358 = arith.constant 112 : index
      %get3A_359 = tpu.vector_load %arg11[%get3A_357, %get3A_358] {strides = array<i32>} : memref<8x128xf32, #tpu.memory_space<vmem>>, vector<16xf32>,
      %get3A_360 = arith.constant 112 : index
      %get3A_361 = tpu.vector_load %arg13[%get3A_360] {strides = array<i32>} : memref<1536xf32, #tpu.memory_space<vmem>>, vector<16xf32>,
      %add3A_362 = arith.addf %get3A_359, %get3A_361 : vector<16xf32>
      %get3A_363 = arith.constant 240 : index
      %get3A_364 = tpu.vector_load %arg13[%get3A_363] {strides = array<i32>} : memref<1536xf32, #tpu.memory_space<vmem>>, vector<16xf32>,
      %add3A_365 = arith.addf %add3A_362, %get3A_364 : vector<16xf32>
      %get3A_366 = arith.constant 368 : index
      %get3A_367 = tpu.vector_load %arg13[%get3A_366] {strides = array<i32>} : memref<1536xf32, #tpu.memory_space<vmem>>, vector<16xf32>,
      %add3A_368 = arith.addf %add3A_365, %get3A_367 : vector<16xf32>
      %get3A_369 = arith.constant 496 : index
      %get3A_370 = tpu.vector_load %arg13[%get3A_369] {strides = array<i32>} : memref<1536xf32, #tpu.memory_space<vmem>>, vector<16xf32>,
      %add3A_371 = arith.addf %add3A_368, %get3A_370 : vector<16xf32>
      %get3A_372 = arith.constant 624 : index
      %get3A_373 = tpu.vector_load %arg13[%get3A_372] {strides = array<i32>} : memref<1536xf32, #tpu.memory_space<vmem>>, vector<16xf32>,
      %add3A_374 = arith.addf %add3A_371, %get3A_373 : vector<16xf32>
      %get3A_375 = arith.constant 752 : index
      %get3A_376 = tpu.vector_load %arg13[%get3A_375] {strides = array<i32>} : memref<1536xf32, #tpu.memory_space<vmem>>, vector<16xf32>,
      %add3A_377 = arith.addf %add3A_374, %get3A_376 : vector<16xf32>
      %get3A_378 = arith.constant 880 : index
      %get3A_379 = tpu.vector_load %arg13[%get3A_378] {strides = array<i32>} : memref<1536xf32, #tpu.memory_space<vmem>>, vector<16xf32>,
      %add3A_380 = arith.addf %add3A_377, %get3A_379 : vector<16xf32>
      %get3A_381 = arith.constant 1008 : index
      %get3A_382 = tpu.vector_load %arg13[%get3A_381] {strides = array<i32>} : memref<1536xf32, #tpu.memory_space<vmem>>, vector<16xf32>,
      %add3A_383 = arith.addf %add3A_380, %get3A_382 : vector<16xf32>
      %get3A_384 = arith.constant 1136 : index
      %get3A_385 = tpu.vector_load %arg13[%get3A_384] {strides = array<i32>} : memref<1536xf32, #tpu.memory_space<vmem>>, vector<16xf32>,
      %add3A_386 = arith.addf %add3A_383, %get3A_385 : vector<16xf32>
      %get3A_387 = arith.constant 1264 : index
      %get3A_388 = tpu.vector_load %arg13[%get3A_387] {strides = array<i32>} : memref<1536xf32, #tpu.memory_space<vmem>>, vector<16xf32>,
      %add3A_389 = arith.addf %add3A_386, %get3A_388 : vector<16xf32>
      %get3A_390 = arith.constant 1392 : index
      %get3A_391 = tpu.vector_load %arg13[%get3A_390] {strides = array<i32>} : memref<1536xf32, #tpu.memory_space<vmem>>, vector<16xf32>,
      %add3A_392 = arith.addf %add3A_389, %get3A_391 : vector<16xf32>
      %get3A_393 = arith.constant 1520 : index
      %get3A_394 = tpu.vector_load %arg13[%get3A_393] {strides = array<i32>} : memref<1536xf32, #tpu.memory_space<vmem>>, vector<16xf32>,
      %add3A_395 = arith.addf %add3A_392, %get3A_394 : vector<16xf32>
      %max3A_396 = arith.constant 0.000000e+00 : f32
      %max3A_397 = vector.broadcast %max3A_396 : f32 to vector<16xf32>
      %max3A_398 = arith.maximumf %add3A_395, %max3A_397 : vector<16xf32>
      %get3A_399 = arith.constant 1 : i32
      %get3A_400 = arith.index_cast %get3A_399 : i32 to index
      %get3A_401 = arith.constant 112 : index
      %get3A_402 = tpu.vector_load %arg11[%get3A_400, %get3A_401] {strides = array<i32>} : memref<8x128xf32, #tpu.memory_space<vmem>>, vector<16xf32>,
      %mul3A_403 = arith.mulf %max3A_398, %get3A_402 : vector<16xf32>
      %add3A_404 = arith.addf %add3A_355, %mul3A_403 : vector<16xf32>
      %iota3A = tpu.iota {dimensions = array<i32: 0>} : vector<16xi32>
      %add3A_405 = arith.constant 8 : i32
      %add3A_406 = vector.broadcast %add3A_405 : i32 to vector<16xi32>
      %add3A_407 = arith.addi %iota3A, %add3A_406 : vector<16xi32>
      %and3A = arith.constant 15 : i32
      %and3A_408 = vector.broadcast %and3A : i32 to vector<16xi32>
      %and3A_409 = arith.andi %add3A_407, %and3A_408 : vector<16xi32>
      %reshape3A = vector.shape_cast %and3A_409 : vector<16xi32> to vector<16x1xi32>
      %gather3A = vector.shape_cast %reshape3A : vector<16x1xi32> to vector<16xi32>
      %gather3A_410 = tpu.dynamic_gather %add3A_404[%gather3A] in [0] : vector<16xf32>, vector<16xi32> -> vector<16xf32>
      %add3A_411 = arith.addf %add3A_404, %gather3A_410 : vector<16xf32>
      %add3A_412 = arith.constant 4 : i32
      %add3A_413 = vector.broadcast %add3A_412 : i32 to vector<16xi32>
      %add3A_414 = arith.addi %iota3A, %add3A_413 : vector<16xi32>
      %and3A_415 = arith.constant 15 : i32
      %and3A_416 = vector.broadcast %and3A_415 : i32 to vector<16xi32>
      %and3A_417 = arith.andi %add3A_414, %and3A_416 : vector<16xi32>
      %reshape3A_418 = vector.shape_cast %and3A_417 : vector<16xi32> to vector<16x1xi32>
      %gather3A_419 = vector.shape_cast %reshape3A_418 : vector<16x1xi32> to vector<16xi32>
      %gather3A_420 = tpu.dynamic_gather %add3A_411[%gather3A_419] in [0] : vector<16xf32>, vector<16xi32> -> vector<16xf32>
      %add3A_421 = arith.addf %add3A_411, %gather3A_420 : vector<16xf32>
      %add3A_422 = arith.constant 2 : i32
      %add3A_423 = vector.broadcast %add3A_422 : i32 to vector<16xi32>
      %add3A_424 = arith.addi %iota3A, %add3A_423 : vector<16xi32>
      %and3A_425 = arith.constant 15 : i32
      %and3A_426 = vector.broadcast %and3A_425 : i32 to vector<16xi32>
      %and3A_427 = arith.andi %add3A_424, %and3A_426 : vector<16xi32>
      %reshape3A_428 = vector.shape_cast %and3A_427 : vector<16xi32> to vector<16x1xi32>
      %gather3A_429 = vector.shape_cast %reshape3A_428 : vector<16x1xi32> to vector<16xi32>
      %gather3A_430 = tpu.dynamic_gather %add3A_421[%gather3A_429] in [0] : vector<16xf32>, vector<16xi32> -> vector<16xf32>
      %add3A_431 = arith.addf %add3A_421, %gather3A_430 : vector<16xf32>
      %add3A_432 = arith.constant 1 : i32
      %add3A_433 = vector.broadcast %add3A_432 : i32 to vector<16xi32>
      %add3A_434 = arith.addi %iota3A, %add3A_433 : vector<16xi32>
      %and3A_435 = arith.constant 15 : i32
      %and3A_436 = vector.broadcast %and3A_435 : i32 to vector<16xi32>
      %and3A_437 = arith.andi %add3A_434, %and3A_436 : vector<16xi32>
      %reshape3A_438 = vector.shape_cast %and3A_437 : vector<16xi32> to vector<16x1xi32>
      %gather3A_439 = vector.shape_cast %reshape3A_438 : vector<16x1xi32> to vector<16xi32>
      %gather3A_440 = tpu.dynamic_gather %add3A_431[%gather3A_439] in [0] : vector<16xf32>, vector<16xi32> -> vector<16xf32>
      %add3A_441 = arith.addf %add3A_431, %gather3A_440 : vector<16xf32>
      %get3A_442 = arith.constant 2 : i32
      %get3A_443 = arith.index_cast %get3A_442 : i32 to index
      %get3A_444 = arith.constant 0 : index
      %get3A_445 = tpu.vector_load %arg11[%get3A_443, %get3A_444] {strides = array<i32>} : memref<8x128xf32, #tpu.memory_space<vmem>>, vector<16xf32>,
      %add3A_446 = arith.addf %add3A_441, %get3A_445 : vector<16xf32>
      %neg3A = arith.constant 0.000000e+00 : f32
      %neg3A_447 = vector.broadcast %neg3A : f32 to vector<16xf32>
      %neg3A_448 = arith.subf %neg3A_447, %add3A_446 : vector<16xf32>
      %exp3A = math.exp %neg3A_448 : vector<16xf32>
      %add3A_449 = arith.constant 1.000000e+00 : f32
      %add3A_450 = vector.broadcast %add3A_449 : f32 to vector<16xf32>
      %add3A_451 = arith.addf %add3A_450, %exp3A : vector<16xf32>
      %div3A = arith.constant 1.000000e+00 : f32
      %div3A_452 = vector.broadcast %div3A : f32 to vector<16xf32>
      %div3A_453 = arith.divf %div3A_452, %add3A_451 : vector<16xf32>
      %swap3A = arith.constant 0 : index
      %swap3A_454 = tpu.vector_load %arg14[%swap3A] {strides = array<i32>} : memref<16xf32, #tpu.memory_space<vmem>>, vector<16xf32>,
      tpu.vector_store %arg14[%swap3A], %div3A_453 {strides = array<i32>} : memref<16xf32, #tpu.memory_space<vmem>>, vector<16xf32>,
      "tpu.region"() ({
        %run_scoped3A = tpu.sem_alloc : memref<!tpu.dma_semaphore, #tpu.memory_space<semaphore_mem>>
        tpu.enqueue_dma source(%arg14 : memref<16xf32, #tpu.memory_space<vmem>>) target(%arg7 : memref<16xf32, #tpu.memory_space<hbm>>) target_semaphore(%run_scoped3A : memref<!tpu.dma_semaphore, #tpu.memory_space<semaphore_mem>>)
        tpu.wait_dma2 semaphore(%run_scoped3A : memref<!tpu.dma_semaphore, #tpu.memory_space<semaphore_mem>>) src(%arg14 : memref<16xf32, #tpu.memory_space<vmem>>) dst(%arg7 : memref<16xf32, #tpu.memory_space<hbm>>)
        tpu.yield
      }) : () -> ()
    } else {
    }
    return
  }
}

</mosaic_0001>

<sc_bundles>
// kernel: _run.3.cloned.1.call-start
scs
__scs_entry_jumppad:
0x0: {  	(pc) =	sbr.rel $0x88, $3  }
0x1: {  	(tag) =	ssettag $0x0;
	lr =	simm.s32 $0x1  }
0x2: {  	[smem:$0x3F9C] =	sst lr;
	_ =	strace $0xD0000000  }
0x3: {  	_ = 	snop  }
0x4: {  	_ = 	snop  }
0x5: {  	_ = 	snop  }
0x6: {  	_ = 	snop  }
0x7: {  	_ = 	snop  }
__scs_overlays_trampoline_lowered:
0x8: {  	[smem:$0x3FAB] =	sst s0  }
0x9: {  	[smem:$0x3FAC] =	sst s1  }
0xa: {  	[smem:$0x3FAD] =	sst s2  }
0xb: {  	[smem:$0x3FAE] =	sst s3  }
0xc: {  	[smem:$0x3FAF] =	sst s4  }
0xd: {  	[smem:$0x3FB0] =	sst s5  }
0xe: {  	[smem:$0x3FB1] =	sst s6  }
0xf: {  	[smem:$0x3FB2] =	sst s7  }
0x10: {  	[smem:$0x3FB3] =	sst s8  }
0x11: {  	[smem:$0x3FB4] =	sst s9;
	s0 =	simm.s32 @!p0 $0x0  }
0x12: {  	s1 =	sld [smem:$0x3F9A];
	s0 =	simm.s32 @p0 $0x1  }
0x13: {  	[smem:$0x3FB5] =	sst s0;
	s0 =	simm.s32 @!p1 $0x0  }
0x14: {  	s2 =	sld [smem:$0x3F99];
	s0 =	simm.s32 @p1 $0x1  }
0x15: {  	[smem:$0x3FB6] =	sst s0;
	s0 =	simm.s32 @!p2 $0x0  }
0x16: {  	s3 =	sld [smem:$0x3FDB];
	s0 =	simm.s32 @p2 $0x1  }
0x17: {  	s4 =	simm.s32 $0x1BF5;
	[smem:$0x3FB8] =	sst s0  }
0x18: {  	s0 =	sld [smem:$0x3F9B];
	_ =	swait.ge [sflag:s4], $0x0  }
0x19: {  	s7 =	sld [smem:$0x3F9C]  }
0x1a: {  	s8 =	sadd.s32 $0xFFFFE003, lr  }
0x1b: {  	s9 =	sadd.s32 $0xFFFFFEF7, lr;
	s5 =	simm.s32 $0xFFFFFFFF;
	p2 =	slt.u32 s8, $0xFFFFF086  }
0x1c: {  	p1 =	slt.u32 s9, $0xF7A;
	s5 =	simm.s32 @!p2 $0x0  }
0x1d: {  	s5 =	simm.s32 @p1 $0x1;
	p0 =	seq.s32 s7, s2  }
0x1e: {  	s7 =	smul.u32 @!p0 $0xF7A, s2;
	p2 =	seq.s32 @!p0 s5, $0x0  }
0x1f: {  	s9 =	smul.u32 $0xF7A, s1;
	s8 =	simm.s32 @!p0 $0x1BF5;
	p2 =	por !p2, p0  }
0x20: {  	[sflag:s8] =	ssyncset.s32 @!p0 $0xFFFFF086;
	s6 =	sadd.s32 @!p0 s3, s7;
	s7 =	simm.s32 @!p0 $0x108  }
0x21: {  	s3 =	sadd.s32 s3, s9;
	s6 =	sadd.s32 @!p0 $0x88, s6;
	s7 =	simm.s32 @p2 $0x1082  }
0x22: {  	[simem:s7], [sflag:s8] =	dma.local @!p0 [hbm:s6], $0xF7A  }
0x23: {  	s9 =	sor.u32 $0xD0000000, s2;
	s6 =	simm.s32 $0x108;
	_ =	swait.ge @!p0 [sflag:s8], $0x0  }
0x24: {  	s3 =	sadd.s32 $0x88, s3;
	s6 =	simm.s32 @!p1 $0x1082;
	[sflag:s4] =	ssyncset.s32 $0xFFFFF086  }
0x25: {  	[simem:s6], [sflag:s4] =	dma.local [hbm:s3], $0xF7A  }
0x26: {  	[smem:$0x3F9C] =	sst s1;
	(tag) =	ssettag s2;
	_ =	strace s9  }
0x27: {  	s1 =	sld [smem:$0x3FAC]  }
0x28: {  	s2 =	sld [smem:$0x3FAD]  }
0x29: {  	s4 =	sld [smem:$0x3FAF]  }
0x2a: {  	p0 =	seq.s32 s5, $0x0;
	s5 =	sld [smem:$0x3FB0]  }
0x2b: {  	s6 =	sld [smem:$0x3FB1]  }
0x2c: {  	s7 =	sld [smem:$0x3FB2]  }
0x2d: {  	s3 =	simm.s32 $0x108;
	s8 =	sld [smem:$0x3FB3]  }
0x2e: {  	s3 =	simm.s32 @!p0 $0x1082;
	s9 =	sld [smem:$0x3FB4]  }
0x2f: {  	lr =	sadd.s32 s0, s3;
	s0 =	sld [smem:$0x3FAB]  }
0x30: {  	s3 =	sld [smem:$0x3FAE]  }
0x31: {  	[smem:$0x3FB7] =	sst s10  }
0x32: {  	s10 =	sld [smem:$0x3FB5];
	_ =	sdelay $0x3  }
0x33: {  	p0 =	seq.s32 s10, $0x1;
	s10 =	sld [smem:$0x3FB7];
	_ =	sdelay $0x3  }
0x34: {  	[smem:$0x3FB7] =	sst s10  }
0x35: {  	s10 =	sld [smem:$0x3FB6];
	_ =	sdelay $0x3  }
0x36: {  	p1 =	seq.s32 s10, $0x1;
	s10 =	sld [smem:$0x3FB7];
	_ =	sdelay $0x3  }
0x37: {  	[smem:$0x3FB7] =	sst s10  }
0x38: {  	s10 =	sld [smem:$0x3FB8]  }
0x39: {  	_ = 	snop;
	(pc) =	sbr.ind lr, $3  }
0x3a: {  	_ = 	snop  }
0x3b: {  	_ = 	snop  }
0x3c: {  	p2 =	seq.s32 s10, $0x1;
	s10 =	sld [smem:$0x3FB7]  }
0x3d: {  	_ =	shalt  }
0x3e: {  	_ =	shalt  }
0x3f: {  	_ =	shalt  }
0x40: {  	_ =	shalt  }
0x41: {  	_ =	shalt  }
0x42: {  	_ =	shalt  }
0x43: {  	_ =	shalt  }
0x44: {  	_ =	shalt  }
0x45: {  	_ =	shalt  }
0x46: {  	_ =	shalt  }
0x47: {  	_ =	shalt  }
0x48: {  	_ =	shalt  }
0x49: {  	_ =	shalt  }
0x4a: {  	_ =	shalt  }
0x4b: {  	_ =	shalt  }
0x4c: {  	_ =	shalt  }
0x4d: {  	_ =	shalt  }
0x4e: {  	_ =	shalt  }
0x4f: {  	_ =	shalt  }
0x50: {  	_ =	shalt  }
0x51: {  	_ =	shalt  }
0x52: {  	_ =	shalt  }
0x53: {  	_ =	shalt  }
0x54: {  	_ =	shalt  }
0x55: {  	_ =	shalt  }
0x56: {  	_ =	shalt  }
0x57: {  	_ =	shalt  }
0x58: {  	_ =	shalt  }
0x59: {  	_ =	shalt  }
0x5a: {  	_ =	shalt  }
0x5b: {  	_ =	shalt  }
0x5c: {  	_ =	shalt  }
0x5d: {  	_ =	shalt  }
0x5e: {  	_ =	shalt  }
0x5f: {  	_ =	shalt  }
0x60: {  	_ =	shalt  }
0x61: {  	_ =	shalt  }
0x62: {  	_ =	shalt  }
0x63: {  	_ =	shalt  }
0x64: {  	_ =	shalt  }
0x65: {  	_ =	shalt  }
0x66: {  	_ =	shalt  }
0x67: {  	_ =	shalt  }
0x68: {  	_ =	shalt  }
0x69: {  	_ =	shalt  }
0x6a: {  	_ =	shalt  }
0x6b: {  	_ =	shalt  }
0x6c: {  	_ =	shalt  }
0x6d: {  	_ =	shalt  }
0x6e: {  	_ =	shalt  }
0x6f: {  	_ =	shalt  }
0x70: {  	_ =	shalt  }
0x71: {  	_ =	shalt  }
0x72: {  	_ =	shalt  }
0x73: {  	_ =	shalt  }
0x74: {  	_ =	shalt  }
0x75: {  	_ =	shalt  }
0x76: {  	_ =	shalt  }
0x77: {  	_ =	shalt  }
0x78: {  	_ =	shalt  }
0x79: {  	_ =	shalt  }
0x7a: {  	_ =	shalt  }
0x7b: {  	_ =	shalt  }
0x7c: {  	_ =	shalt  }
0x7d: {  	_ =	shalt  }
0x7e: {  	_ =	shalt  }
0x7f: {  	_ =	shalt  }
0x80: {  	_ =	shalt  }
0x81: {  	_ =	shalt  }
0x82: {  	_ =	shalt  }
0x83: {  	_ =	shalt  }
0x84: {  	_ =	shalt  }
0x85: {  	_ =	shalt  }
0x86: {  	_ =	shalt  }
0x87: {  	_ =	shalt  }
.Lfunc_end0:
.L_simem_size_0:
called_computation_lowered:
.L_overlay_start_0:
0x88: {  	s0 =	sld [smem:$0x3FD9]  }
0x89: {  	s1 =	sld [smem:$0x3FFE];
	_ =	sdelay $0x3  }
0x8a: {  	s0 =	sadd.s32 s1, s0  }
0x8b: {  	[smem:$0x3FC3] =	sst s0  }
0x8c: {  	_ = 	snop  }
0x8d: {  	s0 =	sld [smem:$0x3FC9]  }
0x8e: {  	s17 =	sld [smem:$0x3FC8]  }
0x8f: {  	s2 =	sld [smem:$0x3FC7]  }
0x90: {  	s3 =	sld [smem:$0x3FC6]  }
0x91: {  	s4 =	sld [smem:$0x3FC5]  }
0x92: {  	s5 =	sld [smem:$0x3FD0];
	(tm) =	ssettm $0x1  }
0x93: {  	s6 =	sld [smem:$0x3FFB];
	_ =	sdelay $0x3  }
0x94: {  	_ =	strace s6  }
0x95: {  	s6 =	sld [smem:$0x3FFC];
	_ =	sdelay $0x3  }
0x96: {  	_ =	strace s6  }
0x97: {  	s6 =	sld [smem:$0x3FFD];
	_ =	sdelay $0x3  }
0x98: {  	_ =	strace s6  }
0x99: {  	_ =	strace $0x8FFFFFFF  }
0x9a: {  	s18 =	sld [smem:$0x3FDB];
	_ =	sdelay $0x1  }
0x9b: {  	s7 =	simm.s32 $_scs_section_size  }
0x9c: {  	s8 =	simm.s32 $_size__tile_overlayer_lowered;
	s9 =	simm.s32 $_tile_overlayer_lowered  }
0x9d: {  	s21 =	simm.s32 $0x1BFF;
	s20 =	sshll.u32 s9, $0x1;
	s6 =	sadd.s32 s7, s18  }
0x9e: {  	s10 =	simm.s32 $0x0;
	s19 =	sshll.u32 s8, $0x1;
	s8 =	sadd.s32 s20, s6  }
0x9f: {  	[timem:s10], [sflag:s21] =	dma.local [hbm:s8], s19  }
0xa0: {  	_ =	swait.ge [sflag:s21], s19  }
0xa1: {  	s7 =	ssub.s32 $0x0, s19;
	[sflag:s21] =	ssyncset.done $0x0  }
0xa2: {  	[sflag:s21] =	ssyncadd.s32 s7;
	_ =	sdelay $0x1  }
0xa3: {  	s22 =	simm.s32 $0x1B8B  }
0xa4: {  	_ =	swait.ge [sflag:s22], $0x1  }
0xa5: {  	[sflag:s22] =	ssyncset.done $0x0  }
0xa6: {  	s23 =	simm.s32 $0x1B8E;
	[sflag:s22] =	ssyncadd.s32 $0xFFFFFFFF  }
0xa7: {  	s24 =	simm.s32 $execute0_lowered;
	[smem:$0x3FD2] =	sst s23  }
0xa8: {  	s7 =	sshll.u32 s24, $0x1;
	_ =	strace $0x80000046;
	[dreg:$0x1] =	wrdreg $0xFFFFFFFF  }
0xa9: {  	s25 =	simm.s32 $_size_execute0_lowered;
	s6 =	sadd.s32 s6, s7;
	[dreg:$0x0] =	wrdreg $0x0  }
0xaa: {  	s7 =	sshll.u32 s25, $0x1;
	[dreg:$0x2] =	wrdreg s6  }
0xab: {  	[dreg:$0x3] =	wrdreg s7  }
0xac: {  	[dreg:$0x4] =	wrdreg $0xC0  }
0xad: {  	_ =	task [dreg:s10], $0x5FFFF  }
0xae: {  	[dreg:$0x1] =	wrdreg $0xFFFFFFFF  }
0xaf: {  	[dreg:$0x0] =	wrdreg $0x60  }
0xb0: {  	[dreg:$0x2] =	wrdreg s0  }
0xb1: {  	[dreg:$0x3] =	wrdreg s17  }
0xb2: {  	[dreg:$0x4] =	wrdreg s2  }
0xb3: {  	[dreg:$0x5] =	wrdreg s3  }
0xb4: {  	[dreg:$0x6] =	wrdreg s4  }
0xb5: {  	[dreg:$0x7] =	wrdreg s5  }
0xb6: {  	[dreg:$0x8] =	wrdreg $0x1B800  }
0xb7: {  	[dreg:$0x9] =	wrdreg $0x9  }
0xb8: {  	_ =	task.clear_ibuf [dreg:s10], $0xAFFFF;
	_ =	strace $0x90000046  }
0xb9: {  	s26 =	simm.s32 $0x9;
	_ =	strace $0x80000048  }
0xba: {  	_ =	swait.ge [sflag:s26], $0x1  }
0xbb: {  	[sflag:s26] =	ssyncadd.s32 $0xFFFFFFFF  }
0xbc: {  	_ =	strace $0x90000048  }
0xbd: {  	_ =	sfence  }
0xbe: {  	s28 =	sld [smem:$0x0];
	_ =	sdelay $0x1  }
0xbf: {  	s29 =	srdreg.scid  }
0xc0: {  	s30 =	sshll.u32 s29, $0xD;
	s31 =	sshrl.u32 s29, $0x2  }
0xc1: {  	s1 =	sand.u32 $0x1, s29;
	s2 =	sand.u32 $0x4000, s30;
	s0 =	sadd.s32 s31, s28  }
0xc2: {  	s1 =	sor.u32 s2, s1;
	s0 =	sshll.u32 s0, $0x11  }
0xc3: {  	s0 =	sor.u32 s0, s1  }
0xc4: {  	s0 =	sadd.s32 $0x8F2B, s0  }
0xc5: {  	[sflag:s0] =	ssyncadd.remote.s32 $0x1  }
0xc6: {  	_ =	sfence.sel $0xFFFF  }
0xc7: {  	[dreg:$0x0] =	wrdreg $0xFFFFFFFF;
	(pc) =	sbr.abs _section_cstart, $3  }
0xc8: {  	[dreg:$0x1] =	wrdreg $0xFFFFFFFF  }
0xc9: {  	_ =	task.clear_ibuf [dreg:s10], $0x2FFFF;
	_ =	strace $0x9FFFFFFF  }
0xca: {  	(tm) =	ssettm $0x7FFFFFFF  }
0xcb: {  	_ =	shalt  }
tec
execute0_lowered:
.L_overlay_start_1:
0x0: {  	(tag) =	ssettag $0x1  }
0x1: {  	s5 =	rddreg [dreg:$0x0]  }
0x2: {  	s6 =	rddreg [dreg:$0x1]  }
0x3: {  	s8 =	rddreg [dreg:$0x2];
	s1 =	stileid.u32  }
0x4: {  	s7 =	rddreg [dreg:$0x3];
	p0 =	sgt.u32 s1, $0xB  }
.Ltmp0:
0x5: {  	s4 =	rddreg [dreg:$0x4];
	(pc) =	sbr.rel @p0 .LBB2_6-.Ltmp0, $4  }
0x6: {  	s2 =	rddreg [dreg:$0x5]  }
0x7: {  	s3 =	rddreg [dreg:$0x6];
	s9 =	simm.s32 $0x0  }
0x8: {  	[smem:$0x7FF] =	sst s9  }
0x9: {  	s0 =	rddreg [dreg:$0x7];
	_ =	strace $0x80000047  }
0xa: {  	[tilespmem:s9], [sflag:$0x1] =	stream.linear.gather [hbm4b:s5+s9], $0x8, $0x38;
	[tilespmem:$0x1BE0] =	vst v63  }
0xb: {  	s10 =	sshll.u32 s1, $0x8;
	s11 =	sshrl.u32 s1, $0x2  }
0xc: {  	s29 =	simm.s32 $0x880;
	s28 =	sadd.s32 s4, s10;
	p0 =	seq.s32 s11, $0x2  }
0xd: {  	[tilespmem:s29], [sflag:$0x3] =	stream.linear.gather [hbm4b:s28+s9], $0x800, $0x38;
	[tilespmem:$0x1BE0] =	vst v63  }
.Ltmp1:
0xe: {  	s30 =	simm.s32 $0x1;
	(pc) =	sbr.rel @p0 .LBB2_3-.Ltmp1, $4  }
0xf: {  	_ =	swait.ge [sflag:s30], $0x8  }
0x10: {  	s31 =	sshll.u32 s1, $0x1;
	[sflag:s30] =	ssyncset.done $0x0  }
0x11: {  	s12 =	sshll.u32 s1, $0x7;
	s10 =	sand.u32 $0x6, s31;
	[sflag:s30] =	ssyncadd.s32 $0xFFFFFFF8  }
0x12: {  	v0 =	vmov s11;
	s5 =	sadd.s32 s12, s3;
	s9 =	smul.u32 $0x7A1400, s10;
	v1 =	vld [tilespmem:$0x0]  }
0x13: {  	_ =	sdelay $0x2  }
0x14: {  	p0 =	seq.s32 s11, $0x1  }
0x15: {  	(v2sf) =	vpush @p0 v1, $0x1;
	_ =	sdelay $0xe  }
0x16: {  	s7 =	spop @p0 (v2sf);
	(v2sf) =	vpush @!p0 v1, $0x0;
	_ =	sdelay $0x9  }
0x17: {  	s7 =	sshll.u32 @p0 s7, $0x3  }
0x18: {  	s7 =	sand.u32 @p0 $0x7FFFFC00, s7  }
0x19: {  	s7 =	sadd.s32 @p0 s9, s7  }
0x1a: {  	s7 =	sshrl.u32 @p0 s7, $0x3  }
0x1b: {  	s6 =	sadd.s32 @p0 s6, s7  }
0x1c: {  	s8 =	simm.s32 @p0 $0x7A1400;
	s6 =	spop @!p0 (v2sf)  }
0x1d: {  	s8 =	smul.u32 @!p0 $0xC3800, s10;
	s6 =	sshll.u32 @!p0 s6, $0x3  }
.Ltmp2:
0x1e: {  	s6 =	sand.u32 @!p0 $0x7FFFFC00, s6;
	(pc) =	sbr.rel .LBB2_4-.Ltmp2, $4  }
0x1f: {  	s6 =	sadd.s32 @!p0 s8, s6  }
0x20: {  	s31 =	simm.s32 $0x80;
	s7 =	simm.s32 @p0 $0x400;
	s6 =	sshrl.u32 @!p0 s6, $0x3  }
0x21: {  	s8 =	simm.s32 @!p0 $0xC3800;
	s6 =	sadd.s32 @!p0 s7, s6;
	s7 =	simm.s32 @!p0 $0x400  }
0x22: {  	[tilespmem:s31], [sflag:$0x2] =	stream.strided.gather [hbm4b:s6+s7], $0x800, s8, s7, $0x38;
	[tilespmem:$0x1BE0] =	vst v63  }
.LBB2_3:
0x23: {  	_ =	sdelay $0x3  }
0x24: {  	(v2sf) =	vpush v1, $0x2;
	_ =	sdelay $0xe  }
0x25: {  	s6 =	spop (v2sf)  }
0x26: {  	s6 =	sshll.u32 s6, $0x3  }
0x27: {  	s6 =	sand.u32 $0x7FFFFC00, s6  }
0x28: {  	s6 =	sadd.s32 s9, s6  }
0x29: {  	s7 =	simm.s32 $0x400;
	s6 =	sshrl.u32 s6, $0x3  }
0x2a: {  	s30 =	simm.s32 $0x7A1400;
	s31 =	simm.s32 $0x80;
	s6 =	sadd.s32 s8, s6  }
0x2b: {  	[tilespmem:s31], [sflag:$0x2] =	stream.strided.gather [hbm4b:s6+s7], $0x800, s30, s7, $0x38;
	[tilespmem:$0x1BE0] =	vst v63  }
.LBB2_4:
0x2c: {  	s6 =	simm.s32 $0x2  }
0x2d: {  	_ =	swait.ge [sflag:s6], $0x800  }
0x2e: {  	[sflag:s6] =	ssyncset.done $0x0  }
0x2f: {  	s7 =	simm.s32 $0x3;
	[sflag:s6] =	ssyncadd.s32 $0xFFFFF800  }
0x30: {  	_ =	swait.ge [sflag:s7], $0x800  }
0x31: {  	[sflag:s7] =	ssyncset.done $0x0  }
0x32: {  	[sflag:s7] =	ssyncadd.s32 $0xFFFFF800  }
0x33: {  	v47 =	vld [tilespmem:$0x880]  }
0x34: {  	v48 =	vld [tilespmem:$0x890]  }
0x35: {  	v3 =	vld [tilespmem:$0x8A0]  }
0x36: {  	v4 =	vld [tilespmem:$0x8B0]  }
0x37: {  	v5 =	vld [tilespmem:$0x8C0]  }
0x38: {  	v6 =	vld [tilespmem:$0x8D0]  }
0x39: {  	v7 =	vld [tilespmem:$0x8E0]  }
0x3a: {  	v8 =	vld [tilespmem:$0x8F0]  }
0x3b: {  	v9 =	vld [tilespmem:$0x900]  }
0x3c: {  	v10 =	vld [tilespmem:$0x910]  }
0x3d: {  	v11 =	vld [tilespmem:$0x920]  }
0x3e: {  	v12 =	vld [tilespmem:$0x930]  }
0x3f: {  	v13 =	vld [tilespmem:$0x940]  }
0x40: {  	v14 =	vld [tilespmem:$0x950]  }
0x41: {  	v15 =	vld [tilespmem:$0x960]  }
0x42: {  	v16 =	vld [tilespmem:$0x970]  }
0x43: {  	v17 =	vld [tilespmem:$0x980]  }
0x44: {  	v18 =	vld [tilespmem:$0x990]  }
0x45: {  	v19 =	vld [tilespmem:$0x9A0]  }
0x46: {  	v20 =	vld [tilespmem:$0x9B0]  }
0x47: {  	v21 =	vld [tilespmem:$0x9C0]  }
0x48: {  	v22 =	vld [tilespmem:$0x9D0]  }
0x49: {  	v23 =	vld [tilespmem:$0x9E0]  }
0x4a: {  	v24 =	vld [tilespmem:$0x9F0]  }
0x4b: {  	v25 =	vld [tilespmem:$0xA00]  }
0x4c: {  	v1 =	vand.u32 $0x7F, v1;
	v2 =	vlaneseq.u32;
	v26 =	vld [tilespmem:$0xA10]  }
0x4d: {  	v0 =	vperm.xlane v1, v0;
	v46 =	vmul.u32 $0x80, v2;
	v27 =	vld [tilespmem:$0xA20]  }
0x4e: {  	v28 =	vld [tilespmem:$0xA30]  }
0x4f: {  	v0 =	vadd.s32 v46, v0;
	v29 =	vld [tilespmem:$0xA40]  }
0x50: {  	v30 =	vld [tilespmem:$0xA50]  }
0x51: {  	v31 =	vld [tilespmem:$0xA60]  }
0x52: {  	v32 =	vld [tilespmem:$0xA70]  }
0x53: {  	s8 =	simm.s32 $0x80;
	v33 =	vld [tilespmem:$0xA80]  }
0x54: {  	v0 =	vld.idx.msk [tilespmem:v0+s8+$0x0], $0xffff  }
0x55: {  	v35 =	vld [tilespmem:$0xA90]  }
0x56: {  	v36 =	vld [tilespmem:$0xAA0]  }
0x57: {  	v37 =	vld [tilespmem:$0xAB0]  }
0x58: {  	v34 =	vimm.s32 $0x0;
	v38 =	vld [tilespmem:$0xAC0]  }
0x59: {  	v41 =	vimm.s32 $0x1;
	v39 =	vld [tilespmem:$0xAD0];
	v34 =	vperm.xlane v0, v34  }
0x5a: {  	v40 =	vld [tilespmem:$0xAE0];
	v41 =	vperm.xlane v0, v41  }
0x5b: {  	v42 =	vld [tilespmem:$0xAF0];
	v1 =	vmul.f32 v47, v34;
	v2 =	vmul.f32 v48, v34  }
0x5c: {  	v43 =	vld [tilespmem:$0xB00];
	v3 =	vmul.f32 v3, v34;
	v4 =	vmul.f32 v4, v34  }
0x5d: {  	v44 =	vld [tilespmem:$0xB10];
	v5 =	vmul.f32 v5, v34;
	v6 =	vmul.f32 v6, v34  }
0x5e: {  	v45 =	vld [tilespmem:$0xB20];
	v7 =	vmul.f32 v7, v34;
	v9 =	vmul.f32 v9, v41  }
0x5f: {  	v52 =	vimm.s32 $0x2;
	v8 =	vmul.f32 v8, v34;
	v10 =	vmul.f32 v10, v41;
	v34 =	vld [tilespmem:$0xB30]  }
0x60: {  	v59 =	vimm.s32 $0x3;
	v49 =	vmul.f32 v11, v41;
	v50 =	vmul.f32 v12, v41;
	v12 =	vld [tilespmem:$0xB40]  }
0x61: {  	v51 =	vmul.f32 v13, v41;
	v13 =	vld [tilespmem:$0xB50];
	v1 =	vadd.f32 $0.0e+00, v1;
	v2 =	vadd.f32 $0.0e+00, v2  }
0x62: {  	v11 =	vld [tilespmem:$0xB60];
	v53 =	vmul.f32 v14, v41;
	v3 =	vadd.f32 $0.0e+00, v3;
	v4 =	vadd.f32 $0.0e+00, v4  }
0x63: {  	v14 =	vld [tilespmem:$0xB70];
	v16 =	vmul.f32 v16, v41;
	v5 =	vadd.f32 $0.0e+00, v5;
	v8 =	vadd.f32 $0.0e+00, v8  }
0x64: {  	v15 =	vmul.f32 v15, v41;
	v41 =	vld [tilespmem:$0xB80];
	v6 =	vadd.f32 $0.0e+00, v6;
	v7 =	vadd.f32 $0.0e+00, v7  }
0x65: {  	v1 =	vadd.f32 v9, v1;
	v9 =	vperm.xlane v0, v52;
	v8 =	vadd.f32 v16, v8;
	v16 =	vld [tilespmem:$0xBA0]  }
0x66: {  	v47 =	vimm.s32 $0x4;
	v2 =	vadd.f32 v10, v2;
	v7 =	vadd.f32 v15, v7;
	v15 =	vld [tilespmem:$0xC00]  }
0x67: {  	v3 =	vadd.f32 v49, v3;
	v4 =	vadd.f32 v50, v4;
	v55 =	vmul.f32 v18, v9;
	v18 =	vld [tilespmem:$0xB90]  }
0x68: {  	v5 =	vadd.f32 v51, v5;
	v54 =	vmul.f32 v17, v9;
	v56 =	vmul.f32 v19, v9;
	v17 =	vld [tilespmem:$0xBB0]  }
0x69: {  	v6 =	vadd.f32 v53, v6;
	v57 =	vmul.f32 v20, v9;
	v58 =	vmul.f32 v21, v9;
	v20 =	vld [tilespmem:$0xBC0]  }
0x6a: {  	v60 =	vmul.f32 v22, v9;
	v19 =	vperm.xlane v0, v59;
	v21 =	vld [tilespmem:$0xBD0];
	v1 =	vadd.f32 v54, v1  }
0x6b: {  	v61 =	vmul.f32 v23, v9;
	v22 =	vld [tilespmem:$0xBE0];
	v2 =	vadd.f32 v55, v2;
	v3 =	vadd.f32 v56, v3  }
0x6c: {  	v9 =	vmul.f32 v24, v9;
	v24 =	vld [tilespmem:$0xBF0];
	v4 =	vadd.f32 v57, v4;
	v5 =	vadd.f32 v58, v5  }
0x6d: {  	v23 =	vld [tilespmem:$0xC10];
	v6 =	vadd.f32 v60, v6;
	v62 =	vmul.f32 v25, v19;
	v63 =	vmul.f32 v26, v19  }
0x6e: {  	v7 =	vadd.f32 v61, v7;
	v27 =	vmul.f32 v27, v19;
	v28 =	vmul.f32 v28, v19;
	v26 =	vld [tilespmem:$0xC20]  }
0x6f: {  	v8 =	vadd.f32 v9, v8;
	v46 =	vmul.f32 v29, v19;
	v48 =	vmul.f32 v30, v19;
	v30 =	vld [tilespmem:$0xC50]  }
0x70: {  	v25 =	vperm.xlane v0, v47;
	v49 =	vmul.f32 v31, v19;
	v29 =	vld [tilespmem:$0xC70];
	v55 =	vimm.s32 $0x5  }
0x71: {  	v19 =	vmul.f32 v32, v19;
	v32 =	vld [tilespmem:$0xC80];
	v31 =	vperm.xlane v0, v55;
	v1 =	vadd.f32 v62, v1  }
0x72: {  	v47 =	vld [tilespmem:$0xD20];
	v2 =	vadd.f32 v63, v2;
	v3 =	vadd.f32 v27, v3;
	v50 =	vmul.f32 v33, v25  }
0x73: {  	v4 =	vadd.f32 v28, v4;
	v27 =	vld [tilespmem:$0xC30];
	v51 =	vmul.f32 v35, v25;
	v52 =	vmul.f32 v36, v25  }
0x74: {  	v5 =	vadd.f32 v46, v5;
	v28 =	vld [tilespmem:$0xC40];
	v53 =	vmul.f32 v37, v25;
	v54 =	vmul.f32 v38, v25  }
0x75: {  	v8 =	vadd.f32 v19, v8;
	v19 =	vld [tilespmem:$0xC60];
	v56 =	vmul.f32 v39, v25;
	v57 =	vmul.f32 v40, v25  }
0x76: {  	v6 =	vadd.f32 v48, v6;
	v33 =	vld [tilespmem:$0xC90];
	v25 =	vmul.f32 v42, v25;
	v58 =	vmul.f32 v43, v31  }
0x77: {  	v7 =	vadd.f32 v49, v7;
	v35 =	vld [tilespmem:$0xCA0];
	v59 =	vmul.f32 v44, v31;
	v60 =	vmul.f32 v45, v31  }
0x78: {  	v37 =	vld [tilespmem:$0xCB0];
	v63 =	vimm.s32 $0x6;
	v61 =	vmul.f32 v34, v31;
	v62 =	vmul.f32 v12, v31  }
0x79: {  	v36 =	vld [tilespmem:$0xCE0];
	v39 =	vimm.s32 $0x9;
	v40 =	vmul.f32 v13, v31;
	v12 =	vperm.xlane v0, v63  }
0x7a: {  	v49 =	vld [tilespmem:$0xD30];
	v42 =	vmul.f32 v11, v31;
	v1 =	vadd.f32 v50, v1;
	v2 =	vadd.f32 v51, v2  }
0x7b: {  	v34 =	vld [tilespmem:$0xCD0];
	v43 =	vmul.f32 v14, v31;
	v3 =	vadd.f32 v52, v3;
	v4 =	vadd.f32 v53, v4  }
0x7c: {  	v13 =	vld [tilespmem:$0xCF0];
	v5 =	vadd.f32 v54, v5;
	v6 =	vadd.f32 v56, v6;
	v44 =	vmul.f32 v41, v12  }
0x7d: {  	v14 =	vld [tilespmem:$0xD00];
	v7 =	vadd.f32 v57, v7;
	v18 =	vmul.f32 v18, v12;
	v46 =	vmul.f32 v16, v12  }
0x7e: {  	v45 =	vld [tilespmem:$0xD10];
	v51 =	vimm.s32 $0x7;
	v48 =	vmul.f32 v17, v12;
	v50 =	vmul.f32 v20, v12  }
0x7f: {  	v8 =	vadd.f32 v25, v8;
	v25 =	vld [tilespmem:$0xCC0];
	v53 =	vmul.f32 v21, v12;
	v17 =	vperm.xlane v0, v51  }
0x80: {  	v52 =	vld [tilespmem:$0xD40];
	v54 =	vmul.f32 v22, v12;
	v1 =	vadd.f32 v58, v1;
	v2 =	vadd.f32 v59, v2  }
0x81: {  	v57 =	vld [tilespmem:$0xD70];
	v12 =	vmul.f32 v24, v12;
	v3 =	vadd.f32 v60, v3;
	v4 =	vadd.f32 v61, v4  }
0x82: {  	v20 =	vld [tilespmem:$0xD50];
	v5 =	vadd.f32 v62, v5;
	v6 =	vadd.f32 v40, v6;
	v55 =	vmul.f32 v15, v17  }
0x83: {  	v21 =	vld [tilespmem:$0xD60];
	v7 =	vadd.f32 v42, v7;
	v56 =	vmul.f32 v23, v17;
	v58 =	vmul.f32 v26, v17  }
0x84: {  	v24 =	vld [tilespmem:$0xDA0];
	v61 =	vimm.s32 $0x8;
	v59 =	vmul.f32 v27, v17;
	v60 =	vmul.f32 v28, v17  }
0x85: {  	v41 =	vld [tilespmem:$0xE10];
	v8 =	vadd.f32 v43, v8;
	v62 =	vmul.f32 v30, v17;
	v23 =	vperm.xlane v0, v61  }
0x86: {  	v43 =	vld [tilespmem:$0xE20];
	v63 =	vmul.f32 v19, v17;
	v1 =	vadd.f32 v44, v1;
	v2 =	vadd.f32 v18, v2  }
0x87: {  	v15 =	vld [tilespmem:$0xD90];
	v17 =	vmul.f32 v29, v17;
	v3 =	vadd.f32 v46, v3;
	v4 =	vadd.f32 v48, v4  }
0x88: {  	v26 =	vld [tilespmem:$0xDB0];
	v5 =	vadd.f32 v50, v5;
	v6 =	vadd.f32 v53, v6;
	v32 =	vmul.f32 v32, v23  }
0x89: {  	v19 =	vld [tilespmem:$0xDC0];
	v7 =	vadd.f32 v54, v7;
	v33 =	vmul.f32 v33, v23;
	v35 =	vmul.f32 v35, v23  }
0x8a: {  	v28 =	vld [tilespmem:$0xDD0];
	v8 =	vadd.f32 v12, v8;
	v37 =	vmul.f32 v37, v23;
	v38 =	vmul.f32 v25, v23  }
0x8b: {  	v27 =	vld [tilespmem:$0xDF0];
	v40 =	vmul.f32 v34, v23;
	v25 =	vperm.xlane v0, v39;
	v1 =	vadd.f32 v55, v1  }
0x8c: {  	v29 =	vld [tilespmem:$0xE00];
	v42 =	vmul.f32 v36, v23;
	v2 =	vadd.f32 v56, v2;
	v3 =	vadd.f32 v58, v3  }
0x8d: {  	v61 =	vld [tilespmem:$0xE90];
	v13 =	vmul.f32 v13, v23;
	v4 =	vadd.f32 v59, v4;
	v5 =	vadd.f32 v60, v5  }
0x8e: {  	v12 =	vld [tilespmem:$0xD80];
	v34 =	vimm.s32 $0xB;
	v6 =	vadd.f32 v62, v6;
	v7 =	vadd.f32 v63, v7  }
0x8f: {  	v46 =	vld [tilespmem:$0xE30];
	v8 =	vadd.f32 v17, v8;
	v44 =	vmul.f32 v14, v25;
	v45 =	vmul.f32 v45, v25  }
0x90: {  	v48 =	vld [tilespmem:$0xE40];
	v47 =	vmul.f32 v47, v25;
	v49 =	vmul.f32 v49, v25;
	v1 =	vadd.f32 v32, v1  }
0x91: {  	v50 =	vld [tilespmem:$0xE50];
	v51 =	vmul.f32 v52, v25;
	v2 =	vadd.f32 v33, v2;
	v3 =	vadd.f32 v35, v3  }
0x92: {  	v53 =	vld [tilespmem:$0xE60];
	v52 =	vimm.s32 $0xA;
	v4 =	vadd.f32 v37, v4;
	v5 =	vadd.f32 v38, v5  }
0x93: {  	v39 =	vld [tilespmem:$0xEE0];
	v54 =	vmul.f32 v20, v25;
	v6 =	vadd.f32 v40, v6;
	v7 =	vadd.f32 v42, v7  }
0x94: {  	v17 =	vld [tilespmem:$0xDE0];
	v56 =	vmul.f32 v21, v25;
	v8 =	vadd.f32 v13, v8;
	v1 =	vadd.f32 v44, v1  }
0x95: {  	v55 =	vld [tilespmem:$0xE70];
	v14 =	vperm.xlane v0, v52;
	v2 =	vadd.f32 v45, v2;
	v3 =	vadd.f32 v47, v3  }
0x96: {  	v58 =	vld [tilespmem:$0xE80];
	v57 =	vmul.f32 v57, v25;
	v4 =	vadd.f32 v49, v4;
	v5 =	vadd.f32 v51, v5  }
0x97: {  	v63 =	vld [tilespmem:$0xEA0];
	v6 =	vadd.f32 v54, v6;
	v59 =	vmul.f32 v12, v14;
	v60 =	vmul.f32 v15, v14  }
0x98: {  	v32 =	vld [tilespmem:$0xEB0];
	v7 =	vadd.f32 v56, v7;
	v62 =	vmul.f32 v24, v14;
	v26 =	vmul.f32 v26, v14  }
0x99: {  	v35 =	vld [tilespmem:$0xEC0];
	v8 =	vadd.f32 v57, v8;
	v33 =	vmul.f32 v19, v14;
	v36 =	vmul.f32 v28, v14  }
0x9a: {  	v37 =	vld [tilespmem:$0xED0];
	v19 =	vperm.xlane v0, v34;
	v38 =	vmul.f32 v17, v14;
	v1 =	vadd.f32 v59, v1  }
0x9b: {  	v42 =	vld [tilespmem:$0xEF0];
	v14 =	vmul.f32 v27, v14;
	v2 =	vadd.f32 v60, v2;
	v3 =	vadd.f32 v62, v3  }
0x9c: {  	v44 =	vld [tilespmem:$0xF00];
	v4 =	vadd.f32 v26, v4;
	v5 =	vadd.f32 v33, v5;
	v40 =	vmul.f32 v29, v19  }
0x9d: {  	v49 =	vld [tilespmem:$0xF20];
	v6 =	vadd.f32 v36, v6;
	v41 =	vmul.f32 v41, v19;
	v43 =	vmul.f32 v43, v19  }
0x9e: {  	v51 =	vld [tilespmem:$0xF30];
	v45 =	vmul.f32 v46, v19;
	v47 =	vmul.f32 v48, v19;
	v48 =	vimm.s32 $0xC  }
0x9f: {  	v54 =	vld [tilespmem:$0xF40];
	v50 =	vmul.f32 v50, v19;
	v52 =	vmul.f32 v53, v19;
	v7 =	vadd.f32 v38, v7  }
0xa0: {  	v56 =	vld [tilespmem:$0xF50];
	v53 =	vmul.f32 v55, v19;
	v8 =	vadd.f32 v14, v8;
	v1 =	vadd.f32 v40, v1  }
0xa1: {  	v34 =	vld [tilespmem:$0xFC0];
	v11 =	vperm.xlane v0, v48;
	v2 =	vadd.f32 v41, v2;
	v3 =	vadd.f32 v43, v3  }
0xa2: {  	v27 =	vld [tilespmem:$0xF90];
	v62 =	vimm.s32 $0xD;
	v4 =	vadd.f32 v45, v4;
	v5 =	vadd.f32 v47, v5  }
0xa3: {  	v46 =	vld [tilespmem:$0xF10];
	v6 =	vadd.f32 v50, v6;
	v40 =	vimm.s32 $0xE;
	v55 =	vmul.f32 v58, v11  }
0xa4: {  	v38 =	vld [tilespmem:$0xFE0];
	v47 =	vimm.s32 $0xF;
	v15 =	vmul.f32 v61, v11;
	v57 =	vmul.f32 v63, v11  }
0xa5: {  	v60 =	vld [tilespmem:$0xF70];
	v7 =	vadd.f32 v52, v7;
	v59 =	vmul.f32 v32, v11;
	v61 =	vmul.f32 v35, v11  }
0xa6: {  	v29 =	vld [tilespmem:$0xFA0];
	v8 =	vadd.f32 v53, v8;
	v24 =	vmul.f32 v37, v11;
	v28 =	vmul.f32 v39, v11  }
0xa7: {  	v48 =	vld [tilespmem:$0x1020];
	v11 =	vmul.f32 v42, v11;
	v42 =	vperm.xlane v0, v40;
	v2 =	vadd.f32 v15, v2  }
0xa8: {  	v41 =	vld [tilespmem:$0xFF0];
	v4 =	vadd.f32 v59, v4;
	v15 =	vperm.xlane v0, v62;
	v0 =	vperm.xlane v0, v47  }
0xa9: {  	v43 =	vld [tilespmem:$0x1000];
	v8 =	vadd.f32 v11, v8;
	v11 =	vmul.f32 v34, v42;
	v59 =	vmul.f32 v38, v42  }
0xaa: {  	v50 =	vld [tilespmem:$0x1030];
	v1 =	vadd.f32 v55, v1;
	v30 =	vmul.f32 v44, v15;
	v31 =	vmul.f32 v46, v15  }
0xab: {  	v58 =	vld [tilespmem:$0xF60];
	v3 =	vadd.f32 v57, v3;
	v33 =	vmul.f32 v49, v15;
	v36 =	vmul.f32 v51, v15  }
0xac: {  	v63 =	vld [tilespmem:$0xF80];
	v5 =	vadd.f32 v61, v5;
	v37 =	vmul.f32 v54, v15;
	v39 =	vmul.f32 v56, v15  }
0xad: {  	v32 =	vld [tilespmem:$0xFB0];
	v6 =	vadd.f32 v24, v6;
	v12 =	vmul.f32 v60, v15;
	v46 =	vmul.f32 v27, v42  }
0xae: {  	v35 =	vld [tilespmem:$0xFD0];
	v7 =	vadd.f32 v28, v7;
	v49 =	vmul.f32 v29, v42;
	v53 =	vmul.f32 v43, v0  }
0xaf: {  	v52 =	vld [tilespmem:$0x1040];
	v56 =	vmul.f32 v48, v0;
	v9 =	vmul.f32 v41, v42;
	v1 =	vadd.f32 v30, v1  }
0xb0: {  	v55 =	vld [tilespmem:$0x1060];
	v16 =	vmul.f32 v58, v15;
	v2 =	vadd.f32 v31, v2;
	v3 =	vadd.f32 v33, v3  }
0xb1: {  	v57 =	vld [tilespmem:$0x1070];
	v45 =	vmul.f32 v63, v42;
	v4 =	vadd.f32 v36, v4;
	v5 =	vadd.f32 v37, v5  }
0xb2: {  	v44 =	vld [tilespmem:$0x1010];
	v51 =	vmul.f32 v32, v42;
	v6 =	vadd.f32 v39, v6;
	v8 =	vadd.f32 v12, v8  }
0xb3: {  	v54 =	vld [tilespmem:$0x1050];
	v10 =	vmul.f32 v35, v42;
	v7 =	vadd.f32 v16, v7;
	v1 =	vadd.f32 v45, v1  }
0xb4: {  	v58 =	vmul.f32 v50, v0;
	v2 =	vadd.f32 v46, v2;
	v3 =	vadd.f32 v49, v3  }
0xb5: {  	v60 =	vmul.f32 v52, v0;
	v4 =	vadd.f32 v51, v4;
	v1 =	vadd.f32 v53, v1  }
0xb6: {  	v62 =	vmul.f32 v55, v0;
	v5 =	vadd.f32 v11, v5;
	v3 =	vadd.f32 v56, v3  }
0xb7: {  	v63 =	vadd.f32 v9, v8;
	v15 =	vmul.f32 v44, v0;
	v4 =	vadd.f32 v58, v4;
	[tilespmem:$0x1480] =	vst v1  }
0xb8: {  	v61 =	vmul.f32 v54, v0;
	v0 =	vmul.f32 v57, v0;
	v5 =	vadd.f32 v60, v5;
	[tilespmem:$0x14A0] =	vst v3  }
0xb9: {  	v6 =	vadd.f32 v10, v6;
	v2 =	vadd.f32 v15, v2;
	[tilespmem:$0x14B0] =	vst v4  }
0xba: {  	v0 =	vadd.f32 v0, v63;
	v1 =	vadd.f32 v59, v7;
	[tilespmem:$0x14C0] =	vst v5  }
0xbb: {  	[tilespmem:$0x1490] =	vst v2;
	v2 =	vadd.f32 v61, v6  }
0xbc: {  	[tilespmem:$0x14F0] =	vst v0;
	v1 =	vadd.f32 v62, v1  }
0xbd: {  	[tilespmem:$0x14D0] =	vst v2  }
0xbe: {  	s31 =	simm.s32 $0x1480;
	p0 =	sne.s32 s1, $0x0;
	[tilespmem:$0x14E0] =	vst v1  }
0xbf: {  	[spmem:s5] =	stream.linear.scatter [tilespmem:s31], [sflag:$0x4], $0x80, $0x38;
	[tilespmem:$0x1BE0] =	vst v63  }
.Ltmp3:
0xc0: {  	_ = 	snop;
	(pc) =	sbr.rel @!p0 .LBB2_5-.Ltmp3, $4  }
0xc1: {  	s5 =	simm.s32 $0x4  }
0xc2: {  	_ =	swait.ge [sflag:s5], $0x80  }
0xc3: {  	[sflag:s5] =	ssyncset.done $0x0  }
0xc4: {  	[sflag:s5] =	ssyncadd.s32 $0xFFFFFF80  }
.LBB2_6:
0xc5: {  	[bflag:$0x0] =	sbarrier.arrive $0xFFFF  }
.LBB2_7:
0xc6: {  	_ =	sfence.sel $0x180000  }
0xc7: {  	[bflag:$0x0] =	sbarrier.arrive $0xFFFF  }
0xc8: {  	p0 =	sne.s32 s1, $0x0;
	_ =	strace $0x90000047  }
0xc9: {  	s0 =	sadd.s32 @!p0 $0x100000, s0;
	[bflag:$0x2] =	sbarrier.arrive $0xFFFF  }
0xca: {  	[sflag:s0] =	ssyncadd.tile.s32 @!p0 $0x1;
	_ =	shalt  }
.LBB2_5:
0xcb: {  	s8 =	sadd.s32 $0xC00, s4;
	s29 =	simm.s32 $0x0;
	s9 =	simm.s32 $0x1080  }
0xcc: {  	[tilespmem:s9], [sflag:$0x3] =	stream.linear.gather [hbm4b:s8+s29], $0x400, $0x38;
	[tilespmem:$0x1BE0] =	vst v63  }
0xcd: {  	s30 =	simm.s32 $0x1500;
	[bflag:$0x0] =	sbarrier.arrive $0xFFFF  }
0xce: {  	[tilespmem:s30], [sflag:$0x2] =	stream.linear.gather [spmem:s3], $0x600, $0x38;
	[tilespmem:$0x1BE0] =	vst v63  }
0xcf: {  	_ =	swait.ge [sflag:s7], $0x400  }
0xd0: {  	[sflag:s7] =	ssyncset.done $0x0  }
0xd1: {  	[sflag:s7] =	ssyncadd.s32 $0xFFFFFC00  }
0xd2: {  	_ =	swait.ge [sflag:s6], $0x600  }
0xd3: {  	[sflag:s6] =	ssyncset.done $0x0  }
0xd4: {  	[sflag:s6] =	ssyncadd.s32 $0xFFFFFA00  }
0xd5: {  	v1 =	vld [tilespmem:$0x1080]  }
0xd6: {  	v2 =	vld [tilespmem:$0x1500]  }
0xd7: {  	v3 =	vld [tilespmem:$0x1580]  }
0xd8: {  	v4 =	vld [tilespmem:$0x1600]  }
0xd9: {  	v5 =	vld [tilespmem:$0x1680]  }
0xda: {  	v6 =	vld [tilespmem:$0x1700]  }
0xdb: {  	v7 =	vld [tilespmem:$0x1780]  }
0xdc: {  	v8 =	vld [tilespmem:$0x1800]  }
0xdd: {  	v9 =	vld [tilespmem:$0x1880]  }
0xde: {  	v10 =	vld [tilespmem:$0x1900]  }
0xdf: {  	v11 =	vld [tilespmem:$0x1980]  }
0xe0: {  	v12 =	vld [tilespmem:$0x1A00]  }
0xe1: {  	v13 =	vld [tilespmem:$0x1A80]  }
0xe2: {  	v14 =	vld [tilespmem:$0x1100]  }
0xe3: {  	v15 =	vld [tilespmem:$0x1090]  }
0xe4: {  	v16 =	vld [tilespmem:$0x1510]  }
0xe5: {  	v17 =	vld [tilespmem:$0x1590]  }
0xe6: {  	v18 =	vld [tilespmem:$0x1610]  }
0xe7: {  	v19 =	vld [tilespmem:$0x1690]  }
0xe8: {  	v20 =	vld [tilespmem:$0x1710]  }
0xe9: {  	v21 =	vld [tilespmem:$0x1790]  }
0xea: {  	v22 =	vld [tilespmem:$0x1810]  }
0xeb: {  	v23 =	vld [tilespmem:$0x1890]  }
0xec: {  	v24 =	vld [tilespmem:$0x1910]  }
0xed: {  	v25 =	vld [tilespmem:$0x1990]  }
0xee: {  	v26 =	vld [tilespmem:$0x1A10]  }
0xef: {  	v27 =	vld [tilespmem:$0x1A90]  }
0xf0: {  	v28 =	vld [tilespmem:$0x1110]  }
0xf1: {  	v29 =	vld [tilespmem:$0x10A0]  }
0xf2: {  	v30 =	vld [tilespmem:$0x1520]  }
0xf3: {  	v31 =	vld [tilespmem:$0x15A0]  }
0xf4: {  	v32 =	vld [tilespmem:$0x1620]  }
0xf5: {  	v33 =	vld [tilespmem:$0x16A0]  }
0xf6: {  	v34 =	vld [tilespmem:$0x1720]  }
0xf7: {  	v35 =	vld [tilespmem:$0x17A0]  }
0xf8: {  	v36 =	vld [tilespmem:$0x1820]  }
0xf9: {  	v37 =	vld [tilespmem:$0x18A0]  }
0xfa: {  	v38 =	vld [tilespmem:$0x1920]  }
0xfb: {  	v39 =	vld [tilespmem:$0x19A0]  }
0xfc: {  	v40 =	vld [tilespmem:$0x1A20]  }
0xfd: {  	v41 =	vld [tilespmem:$0x1AA0]  }
0xfe: {  	v0 =	vld [tilespmem:$0x1120]  }
0xff: {  	v42 =	vld [tilespmem:$0x10B0]  }
0x100: {  	v43 =	vld [tilespmem:$0x1530]  }
0x101: {  	v44 =	vld [tilespmem:$0x15B0]  }
0x102: {  	v45 =	vld [tilespmem:$0x1630]  }
0x103: {  	v46 =	vld [tilespmem:$0x16B0]  }
0x104: {  	v47 =	vld [tilespmem:$0x1730]  }
0x105: {  	v48 =	vld [tilespmem:$0x17B0]  }
0x106: {  	v49 =	vld [tilespmem:$0x1830]  }
0x107: {  	v50 =	vld [tilespmem:$0x18B0]  }
0x108: {  	v51 =	vld [tilespmem:$0x1930]  }
0x109: {  	v52 =	vld [tilespmem:$0x19B0]  }
0x10a: {  	v53 =	vld [tilespmem:$0x1A30]  }
0x10b: {  	v54 =	vld [tilespmem:$0x1AB0]  }
0x10c: {  	v55 =	vld [tilespmem:$0x15C0]  }
0x10d: {  	v58 =	vld [tilespmem:$0x10D0];
	v2 =	vadd.f32 v2, v1  }
0x10e: {  	v59 =	vld [tilespmem:$0x1550]  }
0x10f: {  	v60 =	vld [tilespmem:$0x15D0];
	v63 =	vadd.f32 v16, v15;
	v2 =	vadd.f32 v3, v2  }
0x110: {  	v61 =	vld [tilespmem:$0x1650]  }
0x111: {  	v62 =	vld [tilespmem:$0x16D0];
	v3 =	vadd.f32 v17, v63;
	v2 =	vadd.f32 v4, v2  }
0x112: {  	v1 =	vld [tilespmem:$0x1130]  }
0x113: {  	v15 =	vld [tilespmem:$0x10C0];
	v3 =	vadd.f32 v18, v3;
	v2 =	vadd.f32 v5, v2  }
0x114: {  	v16 =	vld [tilespmem:$0x1540];
	v56 =	vadd.f32 v30, v29  }
0x115: {  	v29 =	vld [tilespmem:$0x1A40];
	v3 =	vadd.f32 v19, v3;
	v2 =	vadd.f32 v6, v2  }
0x116: {  	v57 =	vadd.f32 v43, v42;
	v30 =	vld [tilespmem:$0x1140]  }
0x117: {  	v42 =	vld [tilespmem:$0x1A50];
	v3 =	vadd.f32 v20, v3;
	v2 =	vadd.f32 v7, v2  }
0x118: {  	v43 =	vld [tilespmem:$0x1AD0]  }
0x119: {  	v17 =	vld [tilespmem:$0x1640];
	v3 =	vadd.f32 v21, v3;
	v2 =	vadd.f32 v8, v2  }
0x11a: {  	v63 =	vld [tilespmem:$0x1750];
	v21 =	vadd.f32 v31, v56  }
0x11b: {  	v18 =	vld [tilespmem:$0x1740];
	v3 =	vadd.f32 v22, v3;
	v2 =	vadd.f32 v9, v2  }
0x11c: {  	v5 =	vld [tilespmem:$0x16C0];
	v21 =	vadd.f32 v32, v21;
	v22 =	vadd.f32 v44, v57  }
0x11d: {  	v19 =	vld [tilespmem:$0x1840];
	v3 =	vadd.f32 v23, v3;
	v2 =	vadd.f32 v10, v2  }
0x11e: {  	v6 =	vld [tilespmem:$0x17C0];
	v21 =	vadd.f32 v33, v21;
	v22 =	vadd.f32 v45, v22  }
0x11f: {  	v20 =	vld [tilespmem:$0x1940];
	v3 =	vadd.f32 v24, v3;
	v2 =	vadd.f32 v11, v2  }
0x120: {  	v7 =	vld [tilespmem:$0x18C0];
	v21 =	vadd.f32 v34, v21;
	v22 =	vadd.f32 v46, v22  }
0x121: {  	v31 =	vld [tilespmem:$0x1950];
	v3 =	vadd.f32 v25, v3;
	v2 =	vadd.f32 v12, v2  }
0x122: {  	v56 =	vld [tilespmem:$0x1570];
	v21 =	vadd.f32 v35, v21;
	v22 =	vadd.f32 v47, v22  }
0x123: {  	v8 =	vld [tilespmem:$0x19C0];
	v3 =	vadd.f32 v26, v3;
	v2 =	vadd.f32 v13, v2  }
0x124: {  	v9 =	vld [tilespmem:$0x1AC0];
	v21 =	vadd.f32 v36, v21  }
0x125: {  	v23 =	vld [tilespmem:$0x18E0];
	v22 =	vadd.f32 v48, v22;
	v3 =	vadd.f32 v27, v3;
	v2 =	vmax.f32 v2, $0.0e+00  }
0x126: {  	v46 =	vld [tilespmem:$0x10E0];
	v21 =	vadd.f32 v37, v21;
	v2 =	vmul.f32 v2, v14  }
0x127: {  	v45 =	vadd.f32 v16, v15;
	v26 =	vld [tilespmem:$0x1850];
	v22 =	vadd.f32 v49, v22;
	v3 =	vmax.f32 v3, $0.0e+00  }
0x128: {  	v49 =	vld [tilespmem:$0x1560];
	v21 =	vadd.f32 v38, v21;
	v3 =	vmul.f32 v3, v28;
	v2 =	vadd.f32 $0.0e+00, v2  }
0x129: {  	v13 =	vld [tilespmem:$0x17D0];
	v22 =	vadd.f32 v50, v22;
	v50 =	vadd.f32 v59, v58  }
0x12a: {  	v27 =	vld [tilespmem:$0x18D0];
	v2 =	vadd.f32 v3, v2;
	v3 =	vadd.f32 v55, v45  }
0x12b: {  	v48 =	vadd.f32 v51, v22;
	v51 =	vld [tilespmem:$0x15E0];
	v4 =	vadd.f32 v60, v50  }
0x12c: {  	v47 =	vadd.f32 v39, v21;
	v55 =	vld [tilespmem:$0x10F0];
	v3 =	vadd.f32 v17, v3  }
0x12d: {  	v58 =	vld [tilespmem:$0x1660];
	v15 =	vadd.f32 v49, v46;
	v4 =	vadd.f32 v61, v4  }
0x12e: {  	v59 =	vld [tilespmem:$0x15F0];
	v16 =	vadd.f32 v40, v47;
	v3 =	vadd.f32 v5, v3  }
0x12f: {  	v60 =	vld [tilespmem:$0x16E0];
	v21 =	vadd.f32 v52, v48;
	v4 =	vadd.f32 v62, v4  }
0x130: {  	v61 =	vld [tilespmem:$0x1670];
	v10 =	vadd.f32 v51, v15;
	v3 =	vadd.f32 v18, v3  }
0x131: {  	v62 =	vld [tilespmem:$0x1760];
	v4 =	vadd.f32 v63, v4;
	v11 =	vadd.f32 v56, v55  }
0x132: {  	v63 =	vld [tilespmem:$0x16F0];
	v10 =	vadd.f32 v58, v10;
	v3 =	vadd.f32 v6, v3  }
0x133: {  	v16 =	vadd.f32 v41, v16;
	v18 =	vld [tilespmem:$0x17E0];
	v5 =	vadd.f32 v59, v11  }
0x134: {  	v10 =	vadd.f32 v60, v10;
	v3 =	vadd.f32 v19, v3;
	v19 =	vld [tilespmem:$0x1770]  }
0x135: {  	v57 =	vadd.f32 v53, v21;
	v21 =	vld [tilespmem:$0x1860];
	v5 =	vadd.f32 v61, v5  }
0x136: {  	v22 =	vld [tilespmem:$0x17F0];
	v4 =	vadd.f32 v13, v4;
	v10 =	vadd.f32 v62, v10  }
0x137: {  	v24 =	vld [tilespmem:$0x1870];
	v17 =	vadd.f32 v54, v57;
	v5 =	vadd.f32 v63, v5  }
0x138: {  	v25 =	vld [tilespmem:$0x1960];
	v4 =	vadd.f32 v26, v4;
	v10 =	vadd.f32 v18, v10  }
0x139: {  	v36 =	vld [tilespmem:$0x19D0];
	v3 =	vadd.f32 v7, v3;
	v5 =	vadd.f32 v19, v5  }
0x13a: {  	v26 =	vld [tilespmem:$0x18F0];
	v4 =	vadd.f32 v27, v4;
	v10 =	vadd.f32 v21, v10  }
0x13b: {  	v27 =	vld [tilespmem:$0x19E0];
	v3 =	vadd.f32 v20, v3;
	v5 =	vadd.f32 v22, v5  }
0x13c: {  	v4 =	vadd.f32 v31, v4;
	v31 =	vld [tilespmem:$0x1970];
	v6 =	vadd.f32 v23, v10  }
0x13d: {  	v35 =	vld [tilespmem:$0x1A60];
	v3 =	vadd.f32 v8, v3;
	v5 =	vadd.f32 v24, v5  }
0x13e: {  	v50 =	vimm.s32 $0x76543210;
	v4 =	vadd.f32 v36, v4;
	v36 =	vld [tilespmem:$0x19F0];
	v6 =	vadd.f32 v25, v6  }
0x13f: {  	v38 =	vld [tilespmem:$0x1AE0];
	v34 =	vmax.f32 v16, $0.0e+00;
	v3 =	vadd.f32 v29, v3;
	v5 =	vadd.f32 v26, v5  }
0x140: {  	v40 =	vld [tilespmem:$0x1A70];
	v0 =	vmul.f32 v34, v0;
	v4 =	vadd.f32 v42, v4;
	v6 =	vadd.f32 v27, v6  }
0x141: {  	v44 =	vld [tilespmem:$0x1150];
	v37 =	vmax.f32 v17, $0.0e+00;
	v3 =	vadd.f32 v9, v3;
	v5 =	vadd.f32 v31, v5  }
0x142: {  	v0 =	vadd.f32 v0, v2;
	v1 =	vmul.f32 v37, v1;
	v42 =	vld [tilespmem:$0x1AF0];
	v39 =	vadd.f32 v43, v4  }
0x143: {  	v43 =	vld [tilespmem:$0x1160];
	v6 =	vadd.f32 v35, v6;
	v3 =	vmax.f32 v3, $0.0e+00;
	v5 =	vadd.f32 v36, v5  }
0x144: {  	v49 =	vimm.s32 $0xFEDCBA98;
	v0 =	vadd.f32 v1, v0;
	v41 =	vmul.f32 v3, v30  }
0x145: {  	v46 =	vld [tilespmem:$0x1170];
	v2 =	vmax.f32 v39, $0.0e+00;
	v45 =	vadd.f32 v38, v6;
	v4 =	vadd.f32 v40, v5  }
0x146: {  	v55 =	vimm.s32 $0x3210FEDC;
	v44 =	vmul.f32 v2, v44;
	v0 =	vadd.f32 v41, v0  }
0x147: {  	v3 =	vunpack.c.l.s4.s8 v49;
	v47 =	vmax.f32 v45, $0.0e+00;
	v48 =	vadd.f32 v42, v4  }
0x148: {  	v1 =	vmul.f32 v47, v43;
	v0 =	vadd.f32 v44, v0;
	v4 =	vunpack.c.l.s4.s8 v50  }
0x149: {  	v56 =	vimm.s32 $0xBA987654;
	v52 =	vunpack.c.0.s8.s32 v3;
	v2 =	vmax.f32 v48, $0.0e+00  }
0x14a: {  	v0 =	vadd.f32 v1, v0;
	v53 =	vunpack.c.0.s8.s32 v4;
	v51 =	vmul.f32 v2, v46  }
0x14b: {  	v3 =	vunpack.c.l.s4.s8 v56;
	v54 =	vand.u32 $0xF, v52;
	v2 =	vunpack.c.l.s4.s8 v55  }
0x14c: {  	v1 =	vcombine.low v54, v53;
	v0 =	vadd.f32 v51, v0  }
0x14d: {  	v3 =	vunpack.c.0.s8.s32 v3;
	v2 =	vunpack.c.0.s8.s32 v2  }
0x14e: {  	v1 =	vperm.xlane v0, v1  }
0x14f: {  	v58 =	vimm.s32 $0x10FEDCBA;
	v59 =	vimm.s32 $0x98765432;
	v57 =	vcombine.low v3, v2  }
0x150: {  	v2 =	vunpack.c.l.s4.s8 v58;
	v3 =	vunpack.c.l.s4.s8 v59;
	v0 =	vadd.f32 v0, v1  }
0x151: {  	v61 =	vimm.s32 $0x87654321  }
0x152: {  	v2 =	vunpack.c.0.s8.s32 v2;
	v3 =	vunpack.c.0.s8.s32 v3;
	v1 =	vperm.xlane v0, v57  }
0x153: {  	v60 =	vimm.s32 $0xFEDCBA9;
	v62 =	vunpack.c.l.s4.s8 v61  }
0x154: {  	v2 =	vcombine.low v3, v2;
	v0 =	vadd.f32 v0, v1;
	v1 =	vunpack.c.l.s4.s8 v60;
	_ =	sdelay $0x1  }
0x155: {  	v3 =	vunpack.c.0.s8.s32 v62;
	v2 =	vperm.xlane v0, v2;
	v1 =	vunpack.c.0.s8.s32 v1;
	_ =	sdelay $0x1  }
0x156: {  	v0 =	vadd.f32 v0, v2;
	v1 =	vcombine.low v3, v1  }
0x157: {  	v63 =	vld [tilespmem:$0x1180]  }
0x158: {  	v1 =	vperm.xlane v0, v1;
	_ =	sdelay $0x1  }
0x159: {  	v0 =	vadd.f32 v0, v1;
	_ =	sdelay $0x1  }
0x15a: {  	v0 =	vadd.f32 v0, v63;
	_ =	sdelay $0x1  }
0x15b: {  	v0 =	vsub.f32 $0.0e+00, v0;
	_ =	sdelay $0x1  }
0x15c: {  	v0 =	vmul.f32 $1.442695020e+00, v0;
	_ =	sdelay $0x1  }
0x15d: {  	(erf) = vpow2.f32 v0;
	_ =	sdelay $0x8  }
0x15e: {  	v0 =	vpop (erf)  }
0x15f: {  	v0 =	vadd.f32 $1.000000000e+00, v0;
	_ =	sdelay $0x1  }
0x160: {  	(erf) = vrcp.f32 v0;
	_ =	sdelay $0x8  }
0x161: {  	v0 =	vpop (erf)  }
.Ltmp4:
0x162: {  	s31 =	simm.s32 $0x1B00;
	[tilespmem:$0x1B00] =	vst v0;
	(pc) =	sbr.rel .LBB2_7-.Ltmp4, $4  }
0x163: {  	[hbm4b:s2+s29] =	stream.linear.scatter [tilespmem:s31], [sflag:$0x4], $0x80, $0x38;
	[tilespmem:$0x1BE0] =	vst v63  }
0x164: {  	_ =	swait.ge [sflag:s5], $0x80  }
0x165: {  	[sflag:s5] =	ssyncset.done $0x0  }
0x166: {  	[sflag:s5] =	ssyncadd.s32 $0xFFFFFF80  }
.Lfunc_end2:
_tile_overlayer_lowered:
.L_overlay_start_2:
0x167: {  	(tag) =	ssettag $0x2  }
0x168: {  	s0 =	rddreg [dreg:$0x0];
	s2 =	stileid.u32  }
0x169: {  	s1 =	rddreg [dreg:$0x1];
	p0 =	sne.s32 s2, $0x0  }
0x16a: {  	s3 =	rddreg [dreg:$0x2];
	[bflag:$0x3] =	sbarrier.arrive $0xFFFF;
	s2 =	simm.s32 @!p0 $0x1C04  }
0x16b: {  	[timem:s3], [sflag:s2] =	dma.local @!p0 [hbm:s0], s1  }
0x16c: {  	s0 =	simm.s32 @!p0 $0x4  }
0x16d: {  	_ =	swait.ge @!p0 [sflag:s0], s1  }
0x16e: {  	s1 =	ssub.s32 @!p0 $0x0, s1;
	[sflag:s0] =	ssyncset.done @!p0 $0x0  }
0x16f: {  	[sflag:s0] =	ssyncadd.s32 @!p0 s1  }
0x170: {  	[bflag:$0x3] =	sbarrier.arrive $0xFFFF  }
0x171: {  	_ =	shalt  }

</sc_bundles>
